<compile_context>
chip_gen: v7x
topology: tpu7x:2x2x1
jax: 0.10.2.dev20260603
libtpu: 0.0.44.dev20260713+nightly
codegen_flags: <defaults>
</compile_context>

<pallas_src>
import jax
import jax.numpy as jnp
from jax import lax
from jax.experimental import pallas as pl
from jax.experimental.pallas import tpu as pltpu
from jax.experimental.pallas import tpu_sc as plsc

_BATCH = 4096
_HIST = 200
_EMBED_DIM = 128
_NUM_INDICES = _BATCH * _HIST

_NC = 2
_NS = 16
_NW = _NC * _NS
_B_PER_W = _NUM_INDICES // _NW
_CHUNK = 128
_NBUF = 6
_N_CHUNKS = _B_PER_W // _CHUNK


def kernel(x, table):
    indices = x.reshape(_NW, _N_CHUNKS, _CHUNK)
    mesh = plsc.VectorSubcoreMesh(core_axis_name="c", subcore_axis_name="s")

    @pl.kernel(
        out_type=jax.ShapeDtypeStruct((_NUM_INDICES, _EMBED_DIM), table.dtype),
        mesh=mesh,
        scratch_types=[
            pltpu.VMEM((_N_CHUNKS, _CHUNK), jnp.int32),
            pltpu.VMEM((_NBUF, _CHUNK, _EMBED_DIM), jnp.float32),
            pltpu.SemaphoreType.DMA((_NBUF,)),
            pltpu.SemaphoreType.DMA((_NBUF,)),
        ],
    )
    def gather_kernel(tab_hbm, i_hbm, o_hbm, idx_v, rows_v, gsem, wsem):
        wid = lax.axis_index("s") * _NC + lax.axis_index("c")
        base = wid * _B_PER_W
        pltpu.sync_copy(i_hbm.at[wid], idx_v)

        def start_gather(b, g):
            pltpu.make_async_copy(
                tab_hbm.at[idx_v.at[g]],
                rows_v.at[b], gsem.at[b]).start()

        def wait_gather(b):
            pltpu.make_async_copy(
                tab_hbm.at[idx_v.at[0]],
                rows_v.at[b], gsem.at[b]).wait()

        def start_write(b, g):
            pltpu.make_async_copy(
                rows_v.at[b], o_hbm.at[pl.ds(base + g * _CHUNK, _CHUNK)],
                wsem.at[b]).start()

        def wait_write(b):
            pltpu.make_async_copy(
                rows_v.at[b], o_hbm.at[pl.ds(base, _CHUNK)],
                wsem.at[b]).wait()

        for b in range(_NBUF):
            start_gather(b, b)

        @pl.loop(0, _N_CHUNKS)
        def _(g):
            for b in range(_NBUF):
                prev = (b - 1) % _NBUF

                @pl.when(lax.rem(g, _NBUF) == b)
                def _():
                    wait_gather(b)
                    start_write(b, g)

                    @pl.when(jnp.logical_and(g >= 1,
                                             g - 1 + _NBUF < _N_CHUNKS))
                    def _():
                        wait_write(prev)
                        start_gather(prev, g - 1 + _NBUF)

        for j in range(_NBUF):
            wait_write((_N_CHUNKS - _NBUF + j) % _NBUF)

    out = gather_kernel(table, indices)
    return out.reshape(_BATCH, _HIST, _EMBED_DIM)

# --- scband reference (transcript-rebuilt; emitter-appended) ---
"""Pipeline reference for scband-word-embedding-25426206392329 (READ-ONLY COPY).

The authoritative reference and input builder live on the scoring server;
editing this copy changes nothing except your own understanding.
"""

import jax, jax.numpy as jnp
import numpy as np

VOCAB_SIZE = 100000
EMBED_DIM = 128
BATCH = 4096
HIST = 200
SCALE = 0.1

def setup_inputs(seed: int = 0) -> dict:
    key = jax.random.key(seed)
    k_idx, k_tab = jax.random.split(key)
    x = jax.random.randint(k_idx, (BATCH, HIST), 0, VOCAB_SIZE, dtype=jnp.int64 if jax.config.jax_enable_x64 else jnp.int32)
    # init_method == 'normal': N(0, scale); padding_idx=0 row is zeroed (torch nn.Embedding semantics)
    table = SCALE * jax.random.normal(k_tab, (VOCAB_SIZE, EMBED_DIM), dtype=jnp.float32)
    table = table.at[0].set(0.0)
    return {"x": x, "table": table}

def reference(x, table):
    # WordEmbedding.forward: self.embedding(x) with padding_idx=0.
    # Gather rows; mask positions where idx == 0 (padding row is the zero vector).
    emb = jnp.take(table, x, axis=0)
    mask = (x != 0).astype(emb.dtype)[..., None]
    return emb * mask

if __name__ == "__main__":
    import jax
    _d = setup_inputs()
    print(jax.jit(kernel)(*tuple(_d.values())))

</pallas_src>

<mosaic_0001>
#map = affine_map<(d0, d1) -> (0, 0)>
#map1 = affine_map<(d0, d1) -> (0, 0, 0)>
module attributes {stable_mosaic.version = 14 : i64} {
  func.func @gather_kernel(%arg0: i32, %arg1: i32, %arg2: memref<100000x128xf32, #tpu.memory_space<hbm>>, %arg3: memref<32x200x128xi32, #tpu.memory_space<hbm>>, %arg4: memref<819200x128xf32, #tpu.memory_space<hbm>>, %arg5: memref<200x128xi32, #tpu.memory_space<vmem>>, %arg6: memref<6x128x128xf32, #tpu.memory_space<vmem>>, %arg7: memref<6x!tpu.dma_semaphore, #tpu.memory_space<semaphore_mem>>, %arg8: memref<6x!tpu.dma_semaphore, #tpu.memory_space<semaphore_mem>>) attributes {dimension_semantics = [#tpu.dimension_semantics<core_parallel>, #tpu.dimension_semantics<subcore_parallel>], iteration_bounds = array<i64: 2, 16>, scalar_prefetch = 0 : i64, scratch_operands = 4 : i64, tpu.core_type = #tpu.core_type<sc_vector_subcore>, window_params = [{transform_indices = #map}, {transform_indices = #map1}, {transform_indices = #map}]} {
    %mul3A = arith.constant 2 : i32
    %mul3A_0 = arith.muli %arg1, %mul3A : i32
    %add3A = arith.addi %mul3A_0, %arg0 : i32
    %mul3A_1 = arith.constant 25600 : i32
    %mul3A_2 = arith.muli %add3A, %mul3A_1 : i32
    "tpu.region"() ({
      %run_scoped3A = tpu.sem_alloc : memref<!tpu.dma_semaphore, #tpu.memory_space<semaphore_mem>>
      %dma_start3A_191 = arith.constant 0 : i32
      %dma_start3A_192 = arith.constant 0 : i32
      %dma_start3A_193 = tpu.memref_slice %arg3[%add3A, %dma_start3A_191, %dma_start3A_192] : memref<32x200x128xi32, #tpu.memory_space<hbm>> -> memref<1x200x128xi32, #tpu.memory_space<hbm>>
      %dma_start3A_194 = tpu.memref_squeeze %dma_start3A_193 : memref<1x200x128xi32, #tpu.memory_space<hbm>> -> memref<200x128xi32, #tpu.memory_space<hbm>>
      %dma_start3A_195 = arith.constant 0 : i32
      %dma_start3A_196 = arith.constant 0 : i32
      %dma_start3A_197 = tpu.memref_slice %arg3[%add3A, %dma_start3A_195, %dma_start3A_196] : memref<32x200x128xi32, #tpu.memory_space<hbm>> -> memref<1x200x128xi32, #tpu.memory_space<hbm>>
      %dma_start3A_198 = tpu.memref_squeeze %dma_start3A_197 : memref<1x200x128xi32, #tpu.memory_space<hbm>> -> memref<200x128xi32, #tpu.memory_space<hbm>>
      tpu.enqueue_dma source(%dma_start3A_198 : memref<200x128xi32, #tpu.memory_space<hbm>>) target(%arg5 : memref<200x128xi32, #tpu.memory_space<vmem>>) target_semaphore(%run_scoped3A : memref<!tpu.dma_semaphore, #tpu.memory_space<semaphore_mem>>)
      %dma_wait3A_199 = arith.constant 0 : i32
      %dma_wait3A_200 = arith.constant 0 : i32
      %dma_wait3A_201 = tpu.memref_slice %arg3[%add3A, %dma_wait3A_199, %dma_wait3A_200] : memref<32x200x128xi32, #tpu.memory_space<hbm>> -> memref<1x200x128xi32, #tpu.memory_space<hbm>>
      %dma_wait3A_202 = tpu.memref_squeeze %dma_wait3A_201 : memref<1x200x128xi32, #tpu.memory_space<hbm>> -> memref<200x128xi32, #tpu.memory_space<hbm>>
      %dma_wait3A_203 = arith.constant 0 : i32
      %dma_wait3A_204 = arith.constant 0 : i32
      %dma_wait3A_205 = tpu.memref_slice %arg3[%add3A, %dma_wait3A_203, %dma_wait3A_204] : memref<32x200x128xi32, #tpu.memory_space<hbm>> -> memref<1x200x128xi32, #tpu.memory_space<hbm>>
      %dma_wait3A_206 = tpu.memref_squeeze %dma_wait3A_205 : memref<1x200x128xi32, #tpu.memory_space<hbm>> -> memref<200x128xi32, #tpu.memory_space<hbm>>
      tpu.wait_dma2 semaphore(%run_scoped3A : memref<!tpu.dma_semaphore, #tpu.memory_space<semaphore_mem>>) src(%dma_wait3A_206 : memref<200x128xi32, #tpu.memory_space<hbm>>) dst(%arg5 : memref<200x128xi32, #tpu.memory_space<vmem>>)
      tpu.yield
    }) : () -> ()
    %dma_start3A = arith.constant 0 : i32
    %dma_start3A_3 = arith.constant 0 : i32
    %dma_start3A_4 = arith.constant 0 : i32
    %dma_start3A_5 = arith.constant 0 : i32
    %dma_start3A_6 = arith.constant 0 : i32
    %dma_start3A_7 = tpu.memref_slice %arg6[%dma_start3A_3, %dma_start3A_5, %dma_start3A_6] : memref<6x128x128xf32, #tpu.memory_space<vmem>> -> memref<1x128x128xf32, #tpu.memory_space<vmem>>
    %dma_start3A_8 = tpu.memref_squeeze %dma_start3A_7 : memref<1x128x128xf32, #tpu.memory_space<vmem>> -> memref<128x128xf32, #tpu.memory_space<vmem>>
    %dma_start3A_9 = arith.constant 0 : i32
    %dma_start3A_10 = tpu.memref_slice %arg5[%dma_start3A, %dma_start3A_9] : memref<200x128xi32, #tpu.memory_space<vmem>> -> memref<1x128xi32, #tpu.memory_space<vmem>>
    %dma_start3A_11 = tpu.memref_squeeze %dma_start3A_10 : memref<1x128xi32, #tpu.memory_space<vmem>> -> memref<128xi32, #tpu.memory_space<vmem>>
    %dma_start3A_12 = arith.constant 0 : i32
    %dma_start3A_13 = arith.constant 0 : i32
    %dma_start3A_14 = tpu.memref_slice %arg2[%dma_start3A_12, %dma_start3A_13] : memref<100000x128xf32, #tpu.memory_space<hbm>> -> memref<100000x128xf32, #tpu.memory_space<hbm>>
    %dma_start3A_15 = tpu.memref_slice %arg7[%dma_start3A_4] : memref<6x!tpu.dma_semaphore, #tpu.memory_space<semaphore_mem>> -> memref<1x!tpu.dma_semaphore, #tpu.memory_space<semaphore_mem>>
    %dma_start3A_16 = tpu.memref_squeeze %dma_start3A_15 : memref<1x!tpu.dma_semaphore, #tpu.memory_space<semaphore_mem>> -> memref<!tpu.dma_semaphore, #tpu.memory_space<semaphore_mem>>
    tpu.enqueue_indirect_dma source(%dma_start3A_14 : memref<100000x128xf32, #tpu.memory_space<hbm>>) target(%dma_start3A_8 : memref<128x128xf32, #tpu.memory_space<vmem>>) offsets(%dma_start3A_11 : memref<128xi32, #tpu.memory_space<vmem>>) semaphore(%dma_start3A_16 : memref<!tpu.dma_semaphore, #tpu.memory_space<semaphore_mem>>)
    %dma_start3A_17 = arith.constant 1 : i32
    %dma_start3A_18 = arith.constant 1 : i32
    %dma_start3A_19 = arith.constant 1 : i32
    %dma_start3A_20 = arith.constant 0 : i32
    %dma_start3A_21 = arith.constant 0 : i32
    %dma_start3A_22 = tpu.memref_slice %arg6[%dma_start3A_18, %dma_start3A_20, %dma_start3A_21] : memref<6x128x128xf32, #tpu.memory_space<vmem>> -> memref<1x128x128xf32, #tpu.memory_space<vmem>>
    %dma_start3A_23 = tpu.memref_squeeze %dma_start3A_22 : memref<1x128x128xf32, #tpu.memory_space<vmem>> -> memref<128x128xf32, #tpu.memory_space<vmem>>
    %dma_start3A_24 = arith.constant 0 : i32
    %dma_start3A_25 = tpu.memref_slice %arg5[%dma_start3A_17, %dma_start3A_24] : memref<200x128xi32, #tpu.memory_space<vmem>> -> memref<1x128xi32, #tpu.memory_space<vmem>>
    %dma_start3A_26 = tpu.memref_squeeze %dma_start3A_25 : memref<1x128xi32, #tpu.memory_space<vmem>> -> memref<128xi32, #tpu.memory_space<vmem>>
    %dma_start3A_27 = arith.constant 0 : i32
    %dma_start3A_28 = arith.constant 0 : i32
    %dma_start3A_29 = tpu.memref_slice %arg2[%dma_start3A_27, %dma_start3A_28] : memref<100000x128xf32, #tpu.memory_space<hbm>> -> memref<100000x128xf32, #tpu.memory_space<hbm>>
    %dma_start3A_30 = tpu.memref_slice %arg7[%dma_start3A_19] : memref<6x!tpu.dma_semaphore, #tpu.memory_space<semaphore_mem>> -> memref<1x!tpu.dma_semaphore, #tpu.memory_space<semaphore_mem>>
    %dma_start3A_31 = tpu.memref_squeeze %dma_start3A_30 : memref<1x!tpu.dma_semaphore, #tpu.memory_space<semaphore_mem>> -> memref<!tpu.dma_semaphore, #tpu.memory_space<semaphore_mem>>
    tpu.enqueue_indirect_dma source(%dma_start3A_29 : memref<100000x128xf32, #tpu.memory_space<hbm>>) target(%dma_start3A_23 : memref<128x128xf32, #tpu.memory_space<vmem>>) offsets(%dma_start3A_26 : memref<128xi32, #tpu.memory_space<vmem>>) semaphore(%dma_start3A_31 : memref<!tpu.dma_semaphore, #tpu.memory_space<semaphore_mem>>)
    %dma_start3A_32 = arith.constant 2 : i32
    %dma_start3A_33 = arith.constant 2 : i32
    %dma_start3A_34 = arith.constant 2 : i32
    %dma_start3A_35 = arith.constant 0 : i32
    %dma_start3A_36 = arith.constant 0 : i32
    %dma_start3A_37 = tpu.memref_slice %arg6[%dma_start3A_33, %dma_start3A_35, %dma_start3A_36] : memref<6x128x128xf32, #tpu.memory_space<vmem>> -> memref<1x128x128xf32, #tpu.memory_space<vmem>>
    %dma_start3A_38 = tpu.memref_squeeze %dma_start3A_37 : memref<1x128x128xf32, #tpu.memory_space<vmem>> -> memref<128x128xf32, #tpu.memory_space<vmem>>
    %dma_start3A_39 = arith.constant 0 : i32
    %dma_start3A_40 = tpu.memref_slice %arg5[%dma_start3A_32, %dma_start3A_39] : memref<200x128xi32, #tpu.memory_space<vmem>> -> memref<1x128xi32, #tpu.memory_space<vmem>>
    %dma_start3A_41 = tpu.memref_squeeze %dma_start3A_40 : memref<1x128xi32, #tpu.memory_space<vmem>> -> memref<128xi32, #tpu.memory_space<vmem>>
    %dma_start3A_42 = arith.constant 0 : i32
    %dma_start3A_43 = arith.constant 0 : i32
    %dma_start3A_44 = tpu.memref_slice %arg2[%dma_start3A_42, %dma_start3A_43] : memref<100000x128xf32, #tpu.memory_space<hbm>> -> memref<100000x128xf32, #tpu.memory_space<hbm>>
    %dma_start3A_45 = tpu.memref_slice %arg7[%dma_start3A_34] : memref<6x!tpu.dma_semaphore, #tpu.memory_space<semaphore_mem>> -> memref<1x!tpu.dma_semaphore, #tpu.memory_space<semaphore_mem>>
    %dma_start3A_46 = tpu.memref_squeeze %dma_start3A_45 : memref<1x!tpu.dma_semaphore, #tpu.memory_space<semaphore_mem>> -> memref<!tpu.dma_semaphore, #tpu.memory_space<semaphore_mem>>
    tpu.enqueue_indirect_dma source(%dma_start3A_44 : memref<100000x128xf32, #tpu.memory_space<hbm>>) target(%dma_start3A_38 : memref<128x128xf32, #tpu.memory_space<vmem>>) offsets(%dma_start3A_41 : memref<128xi32, #tpu.memory_space<vmem>>) semaphore(%dma_start3A_46 : memref<!tpu.dma_semaphore, #tpu.memory_space<semaphore_mem>>)
    %dma_start3A_47 = arith.constant 3 : i32
    %dma_start3A_48 = arith.constant 3 : i32
    %dma_start3A_49 = arith.constant 3 : i32
    %dma_start3A_50 = arith.constant 0 : i32
    %dma_start3A_51 = arith.constant 0 : i32
    %dma_start3A_52 = tpu.memref_slice %arg6[%dma_start3A_48, %dma_start3A_50, %dma_start3A_51] : memref<6x128x128xf32, #tpu.memory_space<vmem>> -> memref<1x128x128xf32, #tpu.memory_space<vmem>>
    %dma_start3A_53 = tpu.memref_squeeze %dma_start3A_52 : memref<1x128x128xf32, #tpu.memory_space<vmem>> -> memref<128x128xf32, #tpu.memory_space<vmem>>
    %dma_start3A_54 = arith.constant 0 : i32
    %dma_start3A_55 = tpu.memref_slice %arg5[%dma_start3A_47, %dma_start3A_54] : memref<200x128xi32, #tpu.memory_space<vmem>> -> memref<1x128xi32, #tpu.memory_space<vmem>>
    %dma_start3A_56 = tpu.memref_squeeze %dma_start3A_55 : memref<1x128xi32, #tpu.memory_space<vmem>> -> memref<128xi32, #tpu.memory_space<vmem>>
    %dma_start3A_57 = arith.constant 0 : i32
    %dma_start3A_58 = arith.constant 0 : i32
    %dma_start3A_59 = tpu.memref_slice %arg2[%dma_start3A_57, %dma_start3A_58] : memref<100000x128xf32, #tpu.memory_space<hbm>> -> memref<100000x128xf32, #tpu.memory_space<hbm>>
    %dma_start3A_60 = tpu.memref_slice %arg7[%dma_start3A_49] : memref<6x!tpu.dma_semaphore, #tpu.memory_space<semaphore_mem>> -> memref<1x!tpu.dma_semaphore, #tpu.memory_space<semaphore_mem>>
    %dma_start3A_61 = tpu.memref_squeeze %dma_start3A_60 : memref<1x!tpu.dma_semaphore, #tpu.memory_space<semaphore_mem>> -> memref<!tpu.dma_semaphore, #tpu.memory_space<semaphore_mem>>
    tpu.enqueue_indirect_dma source(%dma_start3A_59 : memref<100000x128xf32, #tpu.memory_space<hbm>>) target(%dma_start3A_53 : memref<128x128xf32, #tpu.memory_space<vmem>>) offsets(%dma_start3A_56 : memref<128xi32, #tpu.memory_space<vmem>>) semaphore(%dma_start3A_61 : memref<!tpu.dma_semaphore, #tpu.memory_space<semaphore_mem>>)
    %dma_start3A_62 = arith.constant 4 : i32
    %dma_start3A_63 = arith.constant 4 : i32
    %dma_start3A_64 = arith.constant 4 : i32
    %dma_start3A_65 = arith.constant 0 : i32
    %dma_start3A_66 = arith.constant 0 : i32
    %dma_start3A_67 = tpu.memref_slice %arg6[%dma_start3A_63, %dma_start3A_65, %dma_start3A_66] : memref<6x128x128xf32, #tpu.memory_space<vmem>> -> memref<1x128x128xf32, #tpu.memory_space<vmem>>
    %dma_start3A_68 = tpu.memref_squeeze %dma_start3A_67 : memref<1x128x128xf32, #tpu.memory_space<vmem>> -> memref<128x128xf32, #tpu.memory_space<vmem>>
    %dma_start3A_69 = arith.constant 0 : i32
    %dma_start3A_70 = tpu.memref_slice %arg5[%dma_start3A_62, %dma_start3A_69] : memref<200x128xi32, #tpu.memory_space<vmem>> -> memref<1x128xi32, #tpu.memory_space<vmem>>
    %dma_start3A_71 = tpu.memref_squeeze %dma_start3A_70 : memref<1x128xi32, #tpu.memory_space<vmem>> -> memref<128xi32, #tpu.memory_space<vmem>>
    %dma_start3A_72 = arith.constant 0 : i32
    %dma_start3A_73 = arith.constant 0 : i32
    %dma_start3A_74 = tpu.memref_slice %arg2[%dma_start3A_72, %dma_start3A_73] : memref<100000x128xf32, #tpu.memory_space<hbm>> -> memref<100000x128xf32, #tpu.memory_space<hbm>>
    %dma_start3A_75 = tpu.memref_slice %arg7[%dma_start3A_64] : memref<6x!tpu.dma_semaphore, #tpu.memory_space<semaphore_mem>> -> memref<1x!tpu.dma_semaphore, #tpu.memory_space<semaphore_mem>>
    %dma_start3A_76 = tpu.memref_squeeze %dma_start3A_75 : memref<1x!tpu.dma_semaphore, #tpu.memory_space<semaphore_mem>> -> memref<!tpu.dma_semaphore, #tpu.memory_space<semaphore_mem>>
    tpu.enqueue_indirect_dma source(%dma_start3A_74 : memref<100000x128xf32, #tpu.memory_space<hbm>>) target(%dma_start3A_68 : memref<128x128xf32, #tpu.memory_space<vmem>>) offsets(%dma_start3A_71 : memref<128xi32, #tpu.memory_space<vmem>>) semaphore(%dma_start3A_76 : memref<!tpu.dma_semaphore, #tpu.memory_space<semaphore_mem>>)
    %dma_start3A_77 = arith.constant 5 : i32
    %dma_start3A_78 = arith.constant 5 : i32
    %dma_start3A_79 = arith.constant 5 : i32
    %dma_start3A_80 = arith.constant 0 : i32
    %dma_start3A_81 = arith.constant 0 : i32
    %dma_start3A_82 = tpu.memref_slice %arg6[%dma_start3A_78, %dma_start3A_80, %dma_start3A_81] : memref<6x128x128xf32, #tpu.memory_space<vmem>> -> memref<1x128x128xf32, #tpu.memory_space<vmem>>
    %dma_start3A_83 = tpu.memref_squeeze %dma_start3A_82 : memref<1x128x128xf32, #tpu.memory_space<vmem>> -> memref<128x128xf32, #tpu.memory_space<vmem>>
    %dma_start3A_84 = arith.constant 0 : i32
    %dma_start3A_85 = tpu.memref_slice %arg5[%dma_start3A_77, %dma_start3A_84] : memref<200x128xi32, #tpu.memory_space<vmem>> -> memref<1x128xi32, #tpu.memory_space<vmem>>
    %dma_start3A_86 = tpu.memref_squeeze %dma_start3A_85 : memref<1x128xi32, #tpu.memory_space<vmem>> -> memref<128xi32, #tpu.memory_space<vmem>>
    %dma_start3A_87 = arith.constant 0 : i32
    %dma_start3A_88 = arith.constant 0 : i32
    %dma_start3A_89 = tpu.memref_slice %arg2[%dma_start3A_87, %dma_start3A_88] : memref<100000x128xf32, #tpu.memory_space<hbm>> -> memref<100000x128xf32, #tpu.memory_space<hbm>>
    %dma_start3A_90 = tpu.memref_slice %arg7[%dma_start3A_79] : memref<6x!tpu.dma_semaphore, #tpu.memory_space<semaphore_mem>> -> memref<1x!tpu.dma_semaphore, #tpu.memory_space<semaphore_mem>>
    %dma_start3A_91 = tpu.memref_squeeze %dma_start3A_90 : memref<1x!tpu.dma_semaphore, #tpu.memory_space<semaphore_mem>> -> memref<!tpu.dma_semaphore, #tpu.memory_space<semaphore_mem>>
    tpu.enqueue_indirect_dma source(%dma_start3A_89 : memref<100000x128xf32, #tpu.memory_space<hbm>>) target(%dma_start3A_83 : memref<128x128xf32, #tpu.memory_space<vmem>>) offsets(%dma_start3A_86 : memref<128xi32, #tpu.memory_space<vmem>>) semaphore(%dma_start3A_91 : memref<!tpu.dma_semaphore, #tpu.memory_space<semaphore_mem>>)
    %scan3A = arith.constant 0 : i32
    %scan3A_92 = arith.constant 200 : i32
    %scan3A_93 = arith.addi %scan3A, %scan3A_92 : i32
    %scan3A_94 = arith.constant 1 : i32
    scf.for %scan3A_191 = %scan3A to %scan3A_93 step %scan3A_94  : i32 {
      %mul3A_192 = arith.constant 1 : i32
      %mul3A_193 = arith.muli %scan3A_191, %mul3A_192 : i32
      %add3A_194 = arith.constant 0 : i32
      %add3A_195 = arith.addi %add3A_194, %mul3A_193 : i32
      %rem3A = arith.constant 6 : i32
      %rem3A_196 = arith.remsi %add3A_195, %rem3A : i32
      %eq3A = arith.constant 0 : i32
      %eq3A_197 = arith.cmpi eq, %rem3A_196, %eq3A : i32
      %convert_element_type3A = arith.extui %eq3A_197 : i1 to i32
      %cond3A = arith.constant 0 : i32
      %cond3A_198 = arith.cmpi ne, %convert_element_type3A, %cond3A : i32
      scf.if %cond3A_198 {
        %dma_wait3A_234 = arith.constant 0 : i32
        %dma_wait3A_235 = arith.constant 0 : i32
        %dma_wait3A_236 = arith.constant 0 : i32
        %dma_wait3A_237 = arith.constant 0 : i32
        %dma_wait3A_238 = arith.constant 0 : i32
        %dma_wait3A_239 = tpu.memref_slice %arg6[%dma_wait3A_235, %dma_wait3A_237, %dma_wait3A_238] : memref<6x128x128xf32, #tpu.memory_space<vmem>> -> memref<1x128x128xf32, #tpu.memory_space<vmem>>
        %dma_wait3A_240 = tpu.memref_squeeze %dma_wait3A_239 : memref<1x128x128xf32, #tpu.memory_space<vmem>> -> memref<128x128xf32, #tpu.memory_space<vmem>>
        %dma_wait3A_241 = arith.constant 0 : i32
        %dma_wait3A_242 = tpu.memref_slice %arg5[%dma_wait3A_234, %dma_wait3A_241] : memref<200x128xi32, #tpu.memory_space<vmem>> -> memref<1x128xi32, #tpu.memory_space<vmem>>
        %dma_wait3A_243 = tpu.memref_squeeze %dma_wait3A_242 : memref<1x128xi32, #tpu.memory_space<vmem>> -> memref<128xi32, #tpu.memory_space<vmem>>
        %dma_wait3A_244 = arith.constant 0 : i32
        %dma_wait3A_245 = arith.constant 0 : i32
        %dma_wait3A_246 = tpu.memref_slice %arg2[%dma_wait3A_244, %dma_wait3A_245] : memref<100000x128xf32, #tpu.memory_space<hbm>> -> memref<100000x128xf32, #tpu.memory_space<hbm>>
        %dma_wait3A_247 = tpu.memref_slice %arg7[%dma_wait3A_236] : memref<6x!tpu.dma_semaphore, #tpu.memory_space<semaphore_mem>> -> memref<1x!tpu.dma_semaphore, #tpu.memory_space<semaphore_mem>>
        %dma_wait3A_248 = tpu.memref_squeeze %dma_wait3A_247 : memref<1x!tpu.dma_semaphore, #tpu.memory_space<semaphore_mem>> -> memref<!tpu.dma_semaphore, #tpu.memory_space<semaphore_mem>>
        tpu.wait_indirect_dma semaphore(%dma_wait3A_248 : memref<!tpu.dma_semaphore, #tpu.memory_space<semaphore_mem>>) src(%dma_wait3A_246 : memref<100000x128xf32, #tpu.memory_space<hbm>>) dst(%dma_wait3A_240 : memref<128x128xf32, #tpu.memory_space<vmem>>)
        %mul3A_249 = arith.constant 128 : i32
        %mul3A_250 = arith.muli %add3A_195, %mul3A_249 : i32
        %add3A_251 = arith.addi %mul3A_2, %mul3A_250 : i32
        %dma_start3A_252 = arith.constant 0 : i32
        %dma_start3A_253 = arith.constant 0 : i32
        %dma_start3A_254 = arith.constant 0 : i32
        %dma_start3A_255 = arith.constant 0 : i32
        %dma_start3A_256 = tpu.memref_slice %arg6[%dma_start3A_252, %dma_start3A_254, %dma_start3A_255] : memref<6x128x128xf32, #tpu.memory_space<vmem>> -> memref<1x128x128xf32, #tpu.memory_space<vmem>>
        %dma_start3A_257 = tpu.memref_squeeze %dma_start3A_256 : memref<1x128x128xf32, #tpu.memory_space<vmem>> -> memref<128x128xf32, #tpu.memory_space<vmem>>
        %dma_start3A_258 = arith.constant 0 : i32
        %dma_start3A_259 = tpu.memref_slice %arg4[%add3A_251, %dma_start3A_258] : memref<819200x128xf32, #tpu.memory_space<hbm>> -> memref<128x128xf32, #tpu.memory_space<hbm>>
        %dma_start3A_260 = tpu.memref_slice %arg8[%dma_start3A_253] : memref<6x!tpu.dma_semaphore, #tpu.memory_space<semaphore_mem>> -> memref<1x!tpu.dma_semaphore, #tpu.memory_space<semaphore_mem>>
        %dma_start3A_261 = tpu.memref_squeeze %dma_start3A_260 : memref<1x!tpu.dma_semaphore, #tpu.memory_space<semaphore_mem>> -> memref<!tpu.dma_semaphore, #tpu.memory_space<semaphore_mem>>
        %dma_start3A_262 = arith.constant 0 : i32
        %dma_start3A_263 = tpu.memref_slice %arg4[%add3A_251, %dma_start3A_262] : memref<819200x128xf32, #tpu.memory_space<hbm>> -> memref<128x128xf32, #tpu.memory_space<hbm>>
        %dma_start3A_264 = arith.constant 0 : i32
        %dma_start3A_265 = arith.constant 0 : i32
        %dma_start3A_266 = tpu.memref_slice %arg6[%dma_start3A_252, %dma_start3A_264, %dma_start3A_265] : memref<6x128x128xf32, #tpu.memory_space<vmem>> -> memref<1x128x128xf32, #tpu.memory_space<vmem>>
        %dma_start3A_267 = tpu.memref_squeeze %dma_start3A_266 : memref<1x128x128xf32, #tpu.memory_space<vmem>> -> memref<128x128xf32, #tpu.memory_space<vmem>>
        tpu.enqueue_dma source(%dma_start3A_267 : memref<128x128xf32, #tpu.memory_space<vmem>>) target(%dma_start3A_263 : memref<128x128xf32, #tpu.memory_space<hbm>>) target_semaphore(%dma_start3A_261 : memref<!tpu.dma_semaphore, #tpu.memory_space<semaphore_mem>>)
        %ge3A = arith.constant 1 : i32
        %ge3A_268 = arith.cmpi sge, %add3A_195, %ge3A : i32
        %sub3A = arith.constant 1 : i32
        %sub3A_269 = arith.subi %add3A_195, %sub3A : i32
        %add3A_270 = arith.constant 6 : i32
        %add3A_271 = arith.addi %sub3A_269, %add3A_270 : i32
        %lt3A = arith.constant 200 : i32
        %lt3A_272 = arith.cmpi slt, %add3A_271, %lt3A : i32
        %and3A = arith.andi %ge3A_268, %lt3A_272 : i1
        %convert_element_type3A_273 = arith.extui %and3A : i1 to i32
        %cond3A_274 = arith.constant 0 : i32
        %cond3A_275 = arith.cmpi ne, %convert_element_type3A_273, %cond3A_274 : i32
        scf.if %cond3A_275 {
          %dma_wait3A_276 = arith.constant 5 : i32
          %dma_wait3A_277 = arith.constant 5 : i32
          %dma_wait3A_278 = arith.constant 0 : i32
          %dma_wait3A_279 = arith.constant 0 : i32
          %dma_wait3A_280 = tpu.memref_slice %arg6[%dma_wait3A_276, %dma_wait3A_278, %dma_wait3A_279] : memref<6x128x128xf32, #tpu.memory_space<vmem>> -> memref<1x128x128xf32, #tpu.memory_space<vmem>>
          %dma_wait3A_281 = tpu.memref_squeeze %dma_wait3A_280 : memref<1x128x128xf32, #tpu.memory_space<vmem>> -> memref<128x128xf32, #tpu.memory_space<vmem>>
          %dma_wait3A_282 = arith.constant 0 : i32
          %dma_wait3A_283 = tpu.memref_slice %arg4[%mul3A_2, %dma_wait3A_282] : memref<819200x128xf32, #tpu.memory_space<hbm>> -> memref<128x128xf32, #tpu.memory_space<hbm>>
          %dma_wait3A_284 = tpu.memref_slice %arg8[%dma_wait3A_277] : memref<6x!tpu.dma_semaphore, #tpu.memory_space<semaphore_mem>> -> memref<1x!tpu.dma_semaphore, #tpu.memory_space<semaphore_mem>>
          %dma_wait3A_285 = tpu.memref_squeeze %dma_wait3A_284 : memref<1x!tpu.dma_semaphore, #tpu.memory_space<semaphore_mem>> -> memref<!tpu.dma_semaphore, #tpu.memory_space<semaphore_mem>>
          %dma_wait3A_286 = arith.constant 0 : i32
          %dma_wait3A_287 = tpu.memref_slice %arg4[%mul3A_2, %dma_wait3A_286] : memref<819200x128xf32, #tpu.memory_space<hbm>> -> memref<128x128xf32, #tpu.memory_space<hbm>>
          %dma_wait3A_288 = arith.constant 0 : i32
          %dma_wait3A_289 = arith.constant 0 : i32
          %dma_wait3A_290 = tpu.memref_slice %arg6[%dma_wait3A_276, %dma_wait3A_288, %dma_wait3A_289] : memref<6x128x128xf32, #tpu.memory_space<vmem>> -> memref<1x128x128xf32, #tpu.memory_space<vmem>>
          %dma_wait3A_291 = tpu.memref_squeeze %dma_wait3A_290 : memref<1x128x128xf32, #tpu.memory_space<vmem>> -> memref<128x128xf32, #tpu.memory_space<vmem>>
          tpu.wait_dma2 semaphore(%dma_wait3A_285 : memref<!tpu.dma_semaphore, #tpu.memory_space<semaphore_mem>>) src(%dma_wait3A_291 : memref<128x128xf32, #tpu.memory_space<vmem>>) dst(%dma_wait3A_287 : memref<128x128xf32, #tpu.memory_space<hbm>>)
          %sub3A_292 = arith.constant 1 : i32
          %sub3A_293 = arith.subi %add3A_195, %sub3A_292 : i32
          %add3A_294 = arith.constant 6 : i32
          %add3A_295 = arith.addi %sub3A_293, %add3A_294 : i32
          %dma_start3A_296 = arith.constant 5 : i32
          %dma_start3A_297 = arith.constant 5 : i32
          %dma_start3A_298 = arith.constant 0 : i32
          %dma_start3A_299 = arith.constant 0 : i32
          %dma_start3A_300 = tpu.memref_slice %arg6[%dma_start3A_296, %dma_start3A_298, %dma_start3A_299] : memref<6x128x128xf32, #tpu.memory_space<vmem>> -> memref<1x128x128xf32, #tpu.memory_space<vmem>>
          %dma_start3A_301 = tpu.memref_squeeze %dma_start3A_300 : memref<1x128x128xf32, #tpu.memory_space<vmem>> -> memref<128x128xf32, #tpu.memory_space<vmem>>
          %dma_start3A_302 = arith.constant 0 : i32
          %dma_start3A_303 = tpu.memref_slice %arg5[%add3A_295, %dma_start3A_302] : memref<200x128xi32, #tpu.memory_space<vmem>> -> memref<1x128xi32, #tpu.memory_space<vmem>>
          %dma_start3A_304 = tpu.memref_squeeze %dma_start3A_303 : memref<1x128xi32, #tpu.memory_space<vmem>> -> memref<128xi32, #tpu.memory_space<vmem>>
          %dma_start3A_305 = arith.constant 0 : i32
          %dma_start3A_306 = arith.constant 0 : i32
          %dma_start3A_307 = tpu.memref_slice %arg2[%dma_start3A_305, %dma_start3A_306] : memref<100000x128xf32, #tpu.memory_space<hbm>> -> memref<100000x128xf32, #tpu.memory_space<hbm>>
          %dma_start3A_308 = tpu.memref_slice %arg7[%dma_start3A_297] : memref<6x!tpu.dma_semaphore, #tpu.memory_space<semaphore_mem>> -> memref<1x!tpu.dma_semaphore, #tpu.memory_space<semaphore_mem>>
          %dma_start3A_309 = tpu.memref_squeeze %dma_start3A_308 : memref<1x!tpu.dma_semaphore, #tpu.memory_space<semaphore_mem>> -> memref<!tpu.dma_semaphore, #tpu.memory_space<semaphore_mem>>
          tpu.enqueue_indirect_dma source(%dma_start3A_307 : memref<100000x128xf32, #tpu.memory_space<hbm>>) target(%dma_start3A_301 : memref<128x128xf32, #tpu.memory_space<vmem>>) offsets(%dma_start3A_304 : memref<128xi32, #tpu.memory_space<vmem>>) semaphore(%dma_start3A_309 : memref<!tpu.dma_semaphore, #tpu.memory_space<semaphore_mem>>)
        } else {
        }
      } else {
      }
      %rem3A_199 = arith.constant 6 : i32
      %rem3A_200 = arith.remsi %add3A_195, %rem3A_199 : i32
      %eq3A_201 = arith.constant 1 : i32
      %eq3A_202 = arith.cmpi eq, %rem3A_200, %eq3A_201 : i32
      %convert_element_type3A_203 = arith.extui %eq3A_202 : i1 to i32
      %cond3A_204 = arith.constant 0 : i32
      %cond3A_205 = arith.cmpi ne, %convert_element_type3A_203, %cond3A_204 : i32
      scf.if %cond3A_205 {
        %dma_wait3A_234 = arith.constant 0 : i32
        %dma_wait3A_235 = arith.constant 1 : i32
        %dma_wait3A_236 = arith.constant 1 : i32
        %dma_wait3A_237 = arith.constant 0 : i32
        %dma_wait3A_238 = arith.constant 0 : i32
        %dma_wait3A_239 = tpu.memref_slice %arg6[%dma_wait3A_235, %dma_wait3A_237, %dma_wait3A_238] : memref<6x128x128xf32, #tpu.memory_space<vmem>> -> memref<1x128x128xf32, #tpu.memory_space<vmem>>
        %dma_wait3A_240 = tpu.memref_squeeze %dma_wait3A_239 : memref<1x128x128xf32, #tpu.memory_space<vmem>> -> memref<128x128xf32, #tpu.memory_space<vmem>>
        %dma_wait3A_241 = arith.constant 0 : i32
        %dma_wait3A_242 = tpu.memref_slice %arg5[%dma_wait3A_234, %dma_wait3A_241] : memref<200x128xi32, #tpu.memory_space<vmem>> -> memref<1x128xi32, #tpu.memory_space<vmem>>
        %dma_wait3A_243 = tpu.memref_squeeze %dma_wait3A_242 : memref<1x128xi32, #tpu.memory_space<vmem>> -> memref<128xi32, #tpu.memory_space<vmem>>
        %dma_wait3A_244 = arith.constant 0 : i32
        %dma_wait3A_245 = arith.constant 0 : i32
        %dma_wait3A_246 = tpu.memref_slice %arg2[%dma_wait3A_244, %dma_wait3A_245] : memref<100000x128xf32, #tpu.memory_space<hbm>> -> memref<100000x128xf32, #tpu.memory_space<hbm>>
        %dma_wait3A_247 = tpu.memref_slice %arg7[%dma_wait3A_236] : memref<6x!tpu.dma_semaphore, #tpu.memory_space<semaphore_mem>> -> memref<1x!tpu.dma_semaphore, #tpu.memory_space<semaphore_mem>>
        %dma_wait3A_248 = tpu.memref_squeeze %dma_wait3A_247 : memref<1x!tpu.dma_semaphore, #tpu.memory_space<semaphore_mem>> -> memref<!tpu.dma_semaphore, #tpu.memory_space<semaphore_mem>>
        tpu.wait_indirect_dma semaphore(%dma_wait3A_248 : memref<!tpu.dma_semaphore, #tpu.memory_space<semaphore_mem>>) src(%dma_wait3A_246 : memref<100000x128xf32, #tpu.memory_space<hbm>>) dst(%dma_wait3A_240 : memref<128x128xf32, #tpu.memory_space<vmem>>)
        %mul3A_249 = arith.constant 128 : i32
        %mul3A_250 = arith.muli %add3A_195, %mul3A_249 : i32
        %add3A_251 = arith.addi %mul3A_2, %mul3A_250 : i32
        %dma_start3A_252 = arith.constant 1 : i32
        %dma_start3A_253 = arith.constant 1 : i32
        %dma_start3A_254 = arith.constant 0 : i32
        %dma_start3A_255 = arith.constant 0 : i32
        %dma_start3A_256 = tpu.memref_slice %arg6[%dma_start3A_252, %dma_start3A_254, %dma_start3A_255] : memref<6x128x128xf32, #tpu.memory_space<vmem>> -> memref<1x128x128xf32, #tpu.memory_space<vmem>>
        %dma_start3A_257 = tpu.memref_squeeze %dma_start3A_256 : memref<1x128x128xf32, #tpu.memory_space<vmem>> -> memref<128x128xf32, #tpu.memory_space<vmem>>
        %dma_start3A_258 = arith.constant 0 : i32
        %dma_start3A_259 = tpu.memref_slice %arg4[%add3A_251, %dma_start3A_258] : memref<819200x128xf32, #tpu.memory_space<hbm>> -> memref<128x128xf32, #tpu.memory_space<hbm>>
        %dma_start3A_260 = tpu.memref_slice %arg8[%dma_start3A_253] : memref<6x!tpu.dma_semaphore, #tpu.memory_space<semaphore_mem>> -> memref<1x!tpu.dma_semaphore, #tpu.memory_space<semaphore_mem>>
        %dma_start3A_261 = tpu.memref_squeeze %dma_start3A_260 : memref<1x!tpu.dma_semaphore, #tpu.memory_space<semaphore_mem>> -> memref<!tpu.dma_semaphore, #tpu.memory_space<semaphore_mem>>
        %dma_start3A_262 = arith.constant 0 : i32
        %dma_start3A_263 = tpu.memref_slice %arg4[%add3A_251, %dma_start3A_262] : memref<819200x128xf32, #tpu.memory_space<hbm>> -> memref<128x128xf32, #tpu.memory_space<hbm>>
        %dma_start3A_264 = arith.constant 0 : i32
        %dma_start3A_265 = arith.constant 0 : i32
        %dma_start3A_266 = tpu.memref_slice %arg6[%dma_start3A_252, %dma_start3A_264, %dma_start3A_265] : memref<6x128x128xf32, #tpu.memory_space<vmem>> -> memref<1x128x128xf32, #tpu.memory_space<vmem>>
        %dma_start3A_267 = tpu.memref_squeeze %dma_start3A_266 : memref<1x128x128xf32, #tpu.memory_space<vmem>> -> memref<128x128xf32, #tpu.memory_space<vmem>>
        tpu.enqueue_dma source(%dma_start3A_267 : memref<128x128xf32, #tpu.memory_space<vmem>>) target(%dma_start3A_263 : memref<128x128xf32, #tpu.memory_space<hbm>>) target_semaphore(%dma_start3A_261 : memref<!tpu.dma_semaphore, #tpu.memory_space<semaphore_mem>>)
        %ge3A = arith.constant 1 : i32
        %ge3A_268 = arith.cmpi sge, %add3A_195, %ge3A : i32
        %sub3A = arith.constant 1 : i32
        %sub3A_269 = arith.subi %add3A_195, %sub3A : i32
        %add3A_270 = arith.constant 6 : i32
        %add3A_271 = arith.addi %sub3A_269, %add3A_270 : i32
        %lt3A = arith.constant 200 : i32
        %lt3A_272 = arith.cmpi slt, %add3A_271, %lt3A : i32
        %and3A = arith.andi %ge3A_268, %lt3A_272 : i1
        %convert_element_type3A_273 = arith.extui %and3A : i1 to i32
        %cond3A_274 = arith.constant 0 : i32
        %cond3A_275 = arith.cmpi ne, %convert_element_type3A_273, %cond3A_274 : i32
        scf.if %cond3A_275 {
          %dma_wait3A_276 = arith.constant 0 : i32
          %dma_wait3A_277 = arith.constant 0 : i32
          %dma_wait3A_278 = arith.constant 0 : i32
          %dma_wait3A_279 = arith.constant 0 : i32
          %dma_wait3A_280 = tpu.memref_slice %arg6[%dma_wait3A_276, %dma_wait3A_278, %dma_wait3A_279] : memref<6x128x128xf32, #tpu.memory_space<vmem>> -> memref<1x128x128xf32, #tpu.memory_space<vmem>>
          %dma_wait3A_281 = tpu.memref_squeeze %dma_wait3A_280 : memref<1x128x128xf32, #tpu.memory_space<vmem>> -> memref<128x128xf32, #tpu.memory_space<vmem>>
          %dma_wait3A_282 = arith.constant 0 : i32
          %dma_wait3A_283 = tpu.memref_slice %arg4[%mul3A_2, %dma_wait3A_282] : memref<819200x128xf32, #tpu.memory_space<hbm>> -> memref<128x128xf32, #tpu.memory_space<hbm>>
          %dma_wait3A_284 = tpu.memref_slice %arg8[%dma_wait3A_277] : memref<6x!tpu.dma_semaphore, #tpu.memory_space<semaphore_mem>> -> memref<1x!tpu.dma_semaphore, #tpu.memory_space<semaphore_mem>>
          %dma_wait3A_285 = tpu.memref_squeeze %dma_wait3A_284 : memref<1x!tpu.dma_semaphore, #tpu.memory_space<semaphore_mem>> -> memref<!tpu.dma_semaphore, #tpu.memory_space<semaphore_mem>>
          %dma_wait3A_286 = arith.constant 0 : i32
          %dma_wait3A_287 = tpu.memref_slice %arg4[%mul3A_2, %dma_wait3A_286] : memref<819200x128xf32, #tpu.memory_space<hbm>> -> memref<128x128xf32, #tpu.memory_space<hbm>>
          %dma_wait3A_288 = arith.constant 0 : i32
          %dma_wait3A_289 = arith.constant 0 : i32
          %dma_wait3A_290 = tpu.memref_slice %arg6[%dma_wait3A_276, %dma_wait3A_288, %dma_wait3A_289] : memref<6x128x128xf32, #tpu.memory_space<vmem>> -> memref<1x128x128xf32, #tpu.memory_space<vmem>>
          %dma_wait3A_291 = tpu.memref_squeeze %dma_wait3A_290 : memref<1x128x128xf32, #tpu.memory_space<vmem>> -> memref<128x128xf32, #tpu.memory_space<vmem>>
          tpu.wait_dma2 semaphore(%dma_wait3A_285 : memref<!tpu.dma_semaphore, #tpu.memory_space<semaphore_mem>>) src(%dma_wait3A_291 : memref<128x128xf32, #tpu.memory_space<vmem>>) dst(%dma_wait3A_287 : memref<128x128xf32, #tpu.memory_space<hbm>>)
          %sub3A_292 = arith.constant 1 : i32
          %sub3A_293 = arith.subi %add3A_195, %sub3A_292 : i32
          %add3A_294 = arith.constant 6 : i32
          %add3A_295 = arith.addi %sub3A_293, %add3A_294 : i32
          %dma_start3A_296 = arith.constant 0 : i32
          %dma_start3A_297 = arith.constant 0 : i32
          %dma_start3A_298 = arith.constant 0 : i32
          %dma_start3A_299 = arith.constant 0 : i32
          %dma_start3A_300 = tpu.memref_slice %arg6[%dma_start3A_296, %dma_start3A_298, %dma_start3A_299] : memref<6x128x128xf32, #tpu.memory_space<vmem>> -> memref<1x128x128xf32, #tpu.memory_space<vmem>>
          %dma_start3A_301 = tpu.memref_squeeze %dma_start3A_300 : memref<1x128x128xf32, #tpu.memory_space<vmem>> -> memref<128x128xf32, #tpu.memory_space<vmem>>
          %dma_start3A_302 = arith.constant 0 : i32
          %dma_start3A_303 = tpu.memref_slice %arg5[%add3A_295, %dma_start3A_302] : memref<200x128xi32, #tpu.memory_space<vmem>> -> memref<1x128xi32, #tpu.memory_space<vmem>>
          %dma_start3A_304 = tpu.memref_squeeze %dma_start3A_303 : memref<1x128xi32, #tpu.memory_space<vmem>> -> memref<128xi32, #tpu.memory_space<vmem>>
          %dma_start3A_305 = arith.constant 0 : i32
          %dma_start3A_306 = arith.constant 0 : i32
          %dma_start3A_307 = tpu.memref_slice %arg2[%dma_start3A_305, %dma_start3A_306] : memref<100000x128xf32, #tpu.memory_space<hbm>> -> memref<100000x128xf32, #tpu.memory_space<hbm>>
          %dma_start3A_308 = tpu.memref_slice %arg7[%dma_start3A_297] : memref<6x!tpu.dma_semaphore, #tpu.memory_space<semaphore_mem>> -> memref<1x!tpu.dma_semaphore, #tpu.memory_space<semaphore_mem>>
          %dma_start3A_309 = tpu.memref_squeeze %dma_start3A_308 : memref<1x!tpu.dma_semaphore, #tpu.memory_space<semaphore_mem>> -> memref<!tpu.dma_semaphore, #tpu.memory_space<semaphore_mem>>
          tpu.enqueue_indirect_dma source(%dma_start3A_307 : memref<100000x128xf32, #tpu.memory_space<hbm>>) target(%dma_start3A_301 : memref<128x128xf32, #tpu.memory_space<vmem>>) offsets(%dma_start3A_304 : memref<128xi32, #tpu.memory_space<vmem>>) semaphore(%dma_start3A_309 : memref<!tpu.dma_semaphore, #tpu.memory_space<semaphore_mem>>)
        } else {
        }
      } else {
      }
      %rem3A_206 = arith.constant 6 : i32
      %rem3A_207 = arith.remsi %add3A_195, %rem3A_206 : i32
      %eq3A_208 = arith.constant 2 : i32
      %eq3A_209 = arith.cmpi eq, %rem3A_207, %eq3A_208 : i32
      %convert_element_type3A_210 = arith.extui %eq3A_209 : i1 to i32
      %cond3A_211 = arith.constant 0 : i32
      %cond3A_212 = arith.cmpi ne, %convert_element_type3A_210, %cond3A_211 : i32
      scf.if %cond3A_212 {
        %dma_wait3A_234 = arith.constant 0 : i32
        %dma_wait3A_235 = arith.constant 2 : i32
        %dma_wait3A_236 = arith.constant 2 : i32
        %dma_wait3A_237 = arith.constant 0 : i32
        %dma_wait3A_238 = arith.constant 0 : i32
        %dma_wait3A_239 = tpu.memref_slice %arg6[%dma_wait3A_235, %dma_wait3A_237, %dma_wait3A_238] : memref<6x128x128xf32, #tpu.memory_space<vmem>> -> memref<1x128x128xf32, #tpu.memory_space<vmem>>
        %dma_wait3A_240 = tpu.memref_squeeze %dma_wait3A_239 : memref<1x128x128xf32, #tpu.memory_space<vmem>> -> memref<128x128xf32, #tpu.memory_space<vmem>>
        %dma_wait3A_241 = arith.constant 0 : i32
        %dma_wait3A_242 = tpu.memref_slice %arg5[%dma_wait3A_234, %dma_wait3A_241] : memref<200x128xi32, #tpu.memory_space<vmem>> -> memref<1x128xi32, #tpu.memory_space<vmem>>
        %dma_wait3A_243 = tpu.memref_squeeze %dma_wait3A_242 : memref<1x128xi32, #tpu.memory_space<vmem>> -> memref<128xi32, #tpu.memory_space<vmem>>
        %dma_wait3A_244 = arith.constant 0 : i32
        %dma_wait3A_245 = arith.constant 0 : i32
        %dma_wait3A_246 = tpu.memref_slice %arg2[%dma_wait3A_244, %dma_wait3A_245] : memref<100000x128xf32, #tpu.memory_space<hbm>> -> memref<100000x128xf32, #tpu.memory_space<hbm>>
        %dma_wait3A_247 = tpu.memref_slice %arg7[%dma_wait3A_236] : memref<6x!tpu.dma_semaphore, #tpu.memory_space<semaphore_mem>> -> memref<1x!tpu.dma_semaphore, #tpu.memory_space<semaphore_mem>>
        %dma_wait3A_248 = tpu.memref_squeeze %dma_wait3A_247 : memref<1x!tpu.dma_semaphore, #tpu.memory_space<semaphore_mem>> -> memref<!tpu.dma_semaphore, #tpu.memory_space<semaphore_mem>>
        tpu.wait_indirect_dma semaphore(%dma_wait3A_248 : memref<!tpu.dma_semaphore, #tpu.memory_space<semaphore_mem>>) src(%dma_wait3A_246 : memref<100000x128xf32, #tpu.memory_space<hbm>>) dst(%dma_wait3A_240 : memref<128x128xf32, #tpu.memory_space<vmem>>)
        %mul3A_249 = arith.constant 128 : i32
        %mul3A_250 = arith.muli %add3A_195, %mul3A_249 : i32
        %add3A_251 = arith.addi %mul3A_2, %mul3A_250 : i32
        %dma_start3A_252 = arith.constant 2 : i32
        %dma_start3A_253 = arith.constant 2 : i32
        %dma_start3A_254 = arith.constant 0 : i32
        %dma_start3A_255 = arith.constant 0 : i32
        %dma_start3A_256 = tpu.memref_slice %arg6[%dma_start3A_252, %dma_start3A_254, %dma_start3A_255] : memref<6x128x128xf32, #tpu.memory_space<vmem>> -> memref<1x128x128xf32, #tpu.memory_space<vmem>>
        %dma_start3A_257 = tpu.memref_squeeze %dma_start3A_256 : memref<1x128x128xf32, #tpu.memory_space<vmem>> -> memref<128x128xf32, #tpu.memory_space<vmem>>
        %dma_start3A_258 = arith.constant 0 : i32
        %dma_start3A_259 = tpu.memref_slice %arg4[%add3A_251, %dma_start3A_258] : memref<819200x128xf32, #tpu.memory_space<hbm>> -> memref<128x128xf32, #tpu.memory_space<hbm>>
        %dma_start3A_260 = tpu.memref_slice %arg8[%dma_start3A_253] : memref<6x!tpu.dma_semaphore, #tpu.memory_space<semaphore_mem>> -> memref<1x!tpu.dma_semaphore, #tpu.memory_space<semaphore_mem>>
        %dma_start3A_261 = tpu.memref_squeeze %dma_start3A_260 : memref<1x!tpu.dma_semaphore, #tpu.memory_space<semaphore_mem>> -> memref<!tpu.dma_semaphore, #tpu.memory_space<semaphore_mem>>
        %dma_start3A_262 = arith.constant 0 : i32
        %dma_start3A_263 = tpu.memref_slice %arg4[%add3A_251, %dma_start3A_262] : memref<819200x128xf32, #tpu.memory_space<hbm>> -> memref<128x128xf32, #tpu.memory_space<hbm>>
        %dma_start3A_264 = arith.constant 0 : i32
        %dma_start3A_265 = arith.constant 0 : i32
        %dma_start3A_266 = tpu.memref_slice %arg6[%dma_start3A_252, %dma_start3A_264, %dma_start3A_265] : memref<6x128x128xf32, #tpu.memory_space<vmem>> -> memref<1x128x128xf32, #tpu.memory_space<vmem>>
        %dma_start3A_267 = tpu.memref_squeeze %dma_start3A_266 : memref<1x128x128xf32, #tpu.memory_space<vmem>> -> memref<128x128xf32, #tpu.memory_space<vmem>>
        tpu.enqueue_dma source(%dma_start3A_267 : memref<128x128xf32, #tpu.memory_space<vmem>>) target(%dma_start3A_263 : memref<128x128xf32, #tpu.memory_space<hbm>>) target_semaphore(%dma_start3A_261 : memref<!tpu.dma_semaphore, #tpu.memory_space<semaphore_mem>>)
        %ge3A = arith.constant 1 : i32
        %ge3A_268 = arith.cmpi sge, %add3A_195, %ge3A : i32
        %sub3A = arith.constant 1 : i32
        %sub3A_269 = arith.subi %add3A_195, %sub3A : i32
        %add3A_270 = arith.constant 6 : i32
        %add3A_271 = arith.addi %sub3A_269, %add3A_270 : i32
        %lt3A = arith.constant 200 : i32
        %lt3A_272 = arith.cmpi slt, %add3A_271, %lt3A : i32
        %and3A = arith.andi %ge3A_268, %lt3A_272 : i1
        %convert_element_type3A_273 = arith.extui %and3A : i1 to i32
        %cond3A_274 = arith.constant 0 : i32
        %cond3A_275 = arith.cmpi ne, %convert_element_type3A_273, %cond3A_274 : i32
        scf.if %cond3A_275 {
          %dma_wait3A_276 = arith.constant 1 : i32
          %dma_wait3A_277 = arith.constant 1 : i32
          %dma_wait3A_278 = arith.constant 0 : i32
          %dma_wait3A_279 = arith.constant 0 : i32
          %dma_wait3A_280 = tpu.memref_slice %arg6[%dma_wait3A_276, %dma_wait3A_278, %dma_wait3A_279] : memref<6x128x128xf32, #tpu.memory_space<vmem>> -> memref<1x128x128xf32, #tpu.memory_space<vmem>>
          %dma_wait3A_281 = tpu.memref_squeeze %dma_wait3A_280 : memref<1x128x128xf32, #tpu.memory_space<vmem>> -> memref<128x128xf32, #tpu.memory_space<vmem>>
          %dma_wait3A_282 = arith.constant 0 : i32
          %dma_wait3A_283 = tpu.memref_slice %arg4[%mul3A_2, %dma_wait3A_282] : memref<819200x128xf32, #tpu.memory_space<hbm>> -> memref<128x128xf32, #tpu.memory_space<hbm>>
          %dma_wait3A_284 = tpu.memref_slice %arg8[%dma_wait3A_277] : memref<6x!tpu.dma_semaphore, #tpu.memory_space<semaphore_mem>> -> memref<1x!tpu.dma_semaphore, #tpu.memory_space<semaphore_mem>>
          %dma_wait3A_285 = tpu.memref_squeeze %dma_wait3A_284 : memref<1x!tpu.dma_semaphore, #tpu.memory_space<semaphore_mem>> -> memref<!tpu.dma_semaphore, #tpu.memory_space<semaphore_mem>>
          %dma_wait3A_286 = arith.constant 0 : i32
          %dma_wait3A_287 = tpu.memref_slice %arg4[%mul3A_2, %dma_wait3A_286] : memref<819200x128xf32, #tpu.memory_space<hbm>> -> memref<128x128xf32, #tpu.memory_space<hbm>>
          %dma_wait3A_288 = arith.constant 0 : i32
          %dma_wait3A_289 = arith.constant 0 : i32
          %dma_wait3A_290 = tpu.memref_slice %arg6[%dma_wait3A_276, %dma_wait3A_288, %dma_wait3A_289] : memref<6x128x128xf32, #tpu.memory_space<vmem>> -> memref<1x128x128xf32, #tpu.memory_space<vmem>>
          %dma_wait3A_291 = tpu.memref_squeeze %dma_wait3A_290 : memref<1x128x128xf32, #tpu.memory_space<vmem>> -> memref<128x128xf32, #tpu.memory_space<vmem>>
          tpu.wait_dma2 semaphore(%dma_wait3A_285 : memref<!tpu.dma_semaphore, #tpu.memory_space<semaphore_mem>>) src(%dma_wait3A_291 : memref<128x128xf32, #tpu.memory_space<vmem>>) dst(%dma_wait3A_287 : memref<128x128xf32, #tpu.memory_space<hbm>>)
          %sub3A_292 = arith.constant 1 : i32
          %sub3A_293 = arith.subi %add3A_195, %sub3A_292 : i32
          %add3A_294 = arith.constant 6 : i32
          %add3A_295 = arith.addi %sub3A_293, %add3A_294 : i32
          %dma_start3A_296 = arith.constant 1 : i32
          %dma_start3A_297 = arith.constant 1 : i32
          %dma_start3A_298 = arith.constant 0 : i32
          %dma_start3A_299 = arith.constant 0 : i32
          %dma_start3A_300 = tpu.memref_slice %arg6[%dma_start3A_296, %dma_start3A_298, %dma_start3A_299] : memref<6x128x128xf32, #tpu.memory_space<vmem>> -> memref<1x128x128xf32, #tpu.memory_space<vmem>>
          %dma_start3A_301 = tpu.memref_squeeze %dma_start3A_300 : memref<1x128x128xf32, #tpu.memory_space<vmem>> -> memref<128x128xf32, #tpu.memory_space<vmem>>
          %dma_start3A_302 = arith.constant 0 : i32
          %dma_start3A_303 = tpu.memref_slice %arg5[%add3A_295, %dma_start3A_302] : memref<200x128xi32, #tpu.memory_space<vmem>> -> memref<1x128xi32, #tpu.memory_space<vmem>>
          %dma_start3A_304 = tpu.memref_squeeze %dma_start3A_303 : memref<1x128xi32, #tpu.memory_space<vmem>> -> memref<128xi32, #tpu.memory_space<vmem>>
          %dma_start3A_305 = arith.constant 0 : i32
          %dma_start3A_306 = arith.constant 0 : i32
          %dma_start3A_307 = tpu.memref_slice %arg2[%dma_start3A_305, %dma_start3A_306] : memref<100000x128xf32, #tpu.memory_space<hbm>> -> memref<100000x128xf32, #tpu.memory_space<hbm>>
          %dma_start3A_308 = tpu.memref_slice %arg7[%dma_start3A_297] : memref<6x!tpu.dma_semaphore, #tpu.memory_space<semaphore_mem>> -> memref<1x!tpu.dma_semaphore, #tpu.memory_space<semaphore_mem>>
          %dma_start3A_309 = tpu.memref_squeeze %dma_start3A_308 : memref<1x!tpu.dma_semaphore, #tpu.memory_space<semaphore_mem>> -> memref<!tpu.dma_semaphore, #tpu.memory_space<semaphore_mem>>
          tpu.enqueue_indirect_dma source(%dma_start3A_307 : memref<100000x128xf32, #tpu.memory_space<hbm>>) target(%dma_start3A_301 : memref<128x128xf32, #tpu.memory_space<vmem>>) offsets(%dma_start3A_304 : memref<128xi32, #tpu.memory_space<vmem>>) semaphore(%dma_start3A_309 : memref<!tpu.dma_semaphore, #tpu.memory_space<semaphore_mem>>)
        } else {
        }
      } else {
      }
      %rem3A_213 = arith.constant 6 : i32
      %rem3A_214 = arith.remsi %add3A_195, %rem3A_213 : i32
      %eq3A_215 = arith.constant 3 : i32
      %eq3A_216 = arith.cmpi eq, %rem3A_214, %eq3A_215 : i32
      %convert_element_type3A_217 = arith.extui %eq3A_216 : i1 to i32
      %cond3A_218 = arith.constant 0 : i32
      %cond3A_219 = arith.cmpi ne, %convert_element_type3A_217, %cond3A_218 : i32
      scf.if %cond3A_219 {
        %dma_wait3A_234 = arith.constant 0 : i32
        %dma_wait3A_235 = arith.constant 3 : i32
        %dma_wait3A_236 = arith.constant 3 : i32
        %dma_wait3A_237 = arith.constant 0 : i32
        %dma_wait3A_238 = arith.constant 0 : i32
        %dma_wait3A_239 = tpu.memref_slice %arg6[%dma_wait3A_235, %dma_wait3A_237, %dma_wait3A_238] : memref<6x128x128xf32, #tpu.memory_space<vmem>> -> memref<1x128x128xf32, #tpu.memory_space<vmem>>
        %dma_wait3A_240 = tpu.memref_squeeze %dma_wait3A_239 : memref<1x128x128xf32, #tpu.memory_space<vmem>> -> memref<128x128xf32, #tpu.memory_space<vmem>>
        %dma_wait3A_241 = arith.constant 0 : i32
        %dma_wait3A_242 = tpu.memref_slice %arg5[%dma_wait3A_234, %dma_wait3A_241] : memref<200x128xi32, #tpu.memory_space<vmem>> -> memref<1x128xi32, #tpu.memory_space<vmem>>
        %dma_wait3A_243 = tpu.memref_squeeze %dma_wait3A_242 : memref<1x128xi32, #tpu.memory_space<vmem>> -> memref<128xi32, #tpu.memory_space<vmem>>
        %dma_wait3A_244 = arith.constant 0 : i32
        %dma_wait3A_245 = arith.constant 0 : i32
        %dma_wait3A_246 = tpu.memref_slice %arg2[%dma_wait3A_244, %dma_wait3A_245] : memref<100000x128xf32, #tpu.memory_space<hbm>> -> memref<100000x128xf32, #tpu.memory_space<hbm>>
        %dma_wait3A_247 = tpu.memref_slice %arg7[%dma_wait3A_236] : memref<6x!tpu.dma_semaphore, #tpu.memory_space<semaphore_mem>> -> memref<1x!tpu.dma_semaphore, #tpu.memory_space<semaphore_mem>>
        %dma_wait3A_248 = tpu.memref_squeeze %dma_wait3A_247 : memref<1x!tpu.dma_semaphore, #tpu.memory_space<semaphore_mem>> -> memref<!tpu.dma_semaphore, #tpu.memory_space<semaphore_mem>>
        tpu.wait_indirect_dma semaphore(%dma_wait3A_248 : memref<!tpu.dma_semaphore, #tpu.memory_space<semaphore_mem>>) src(%dma_wait3A_246 : memref<100000x128xf32, #tpu.memory_space<hbm>>) dst(%dma_wait3A_240 : memref<128x128xf32, #tpu.memory_space<vmem>>)
        %mul3A_249 = arith.constant 128 : i32
        %mul3A_250 = arith.muli %add3A_195, %mul3A_249 : i32
        %add3A_251 = arith.addi %mul3A_2, %mul3A_250 : i32
        %dma_start3A_252 = arith.constant 3 : i32
        %dma_start3A_253 = arith.constant 3 : i32
        %dma_start3A_254 = arith.constant 0 : i32
        %dma_start3A_255 = arith.constant 0 : i32
        %dma_start3A_256 = tpu.memref_slice %arg6[%dma_start3A_252, %dma_start3A_254, %dma_start3A_255] : memref<6x128x128xf32, #tpu.memory_space<vmem>> -> memref<1x128x128xf32, #tpu.memory_space<vmem>>
        %dma_start3A_257 = tpu.memref_squeeze %dma_start3A_256 : memref<1x128x128xf32, #tpu.memory_space<vmem>> -> memref<128x128xf32, #tpu.memory_space<vmem>>
        %dma_start3A_258 = arith.constant 0 : i32
        %dma_start3A_259 = tpu.memref_slice %arg4[%add3A_251, %dma_start3A_258] : memref<819200x128xf32, #tpu.memory_space<hbm>> -> memref<128x128xf32, #tpu.memory_space<hbm>>
        %dma_start3A_260 = tpu.memref_slice %arg8[%dma_start3A_253] : memref<6x!tpu.dma_semaphore, #tpu.memory_space<semaphore_mem>> -> memref<1x!tpu.dma_semaphore, #tpu.memory_space<semaphore_mem>>
        %dma_start3A_261 = tpu.memref_squeeze %dma_start3A_260 : memref<1x!tpu.dma_semaphore, #tpu.memory_space<semaphore_mem>> -> memref<!tpu.dma_semaphore, #tpu.memory_space<semaphore_mem>>
        %dma_start3A_262 = arith.constant 0 : i32
        %dma_start3A_263 = tpu.memref_slice %arg4[%add3A_251, %dma_start3A_262] : memref<819200x128xf32, #tpu.memory_space<hbm>> -> memref<128x128xf32, #tpu.memory_space<hbm>>
        %dma_start3A_264 = arith.constant 0 : i32
        %dma_start3A_265 = arith.constant 0 : i32
        %dma_start3A_266 = tpu.memref_slice %arg6[%dma_start3A_252, %dma_start3A_264, %dma_start3A_265] : memref<6x128x128xf32, #tpu.memory_space<vmem>> -> memref<1x128x128xf32, #tpu.memory_space<vmem>>
        %dma_start3A_267 = tpu.memref_squeeze %dma_start3A_266 : memref<1x128x128xf32, #tpu.memory_space<vmem>> -> memref<128x128xf32, #tpu.memory_space<vmem>>
        tpu.enqueue_dma source(%dma_start3A_267 : memref<128x128xf32, #tpu.memory_space<vmem>>) target(%dma_start3A_263 : memref<128x128xf32, #tpu.memory_space<hbm>>) target_semaphore(%dma_start3A_261 : memref<!tpu.dma_semaphore, #tpu.memory_space<semaphore_mem>>)
        %ge3A = arith.constant 1 : i32
        %ge3A_268 = arith.cmpi sge, %add3A_195, %ge3A : i32
        %sub3A = arith.constant 1 : i32
        %sub3A_269 = arith.subi %add3A_195, %sub3A : i32
        %add3A_270 = arith.constant 6 : i32
        %add3A_271 = arith.addi %sub3A_269, %add3A_270 : i32
        %lt3A = arith.constant 200 : i32
        %lt3A_272 = arith.cmpi slt, %add3A_271, %lt3A : i32
        %and3A = arith.andi %ge3A_268, %lt3A_272 : i1
        %convert_element_type3A_273 = arith.extui %and3A : i1 to i32
        %cond3A_274 = arith.constant 0 : i32
        %cond3A_275 = arith.cmpi ne, %convert_element_type3A_273, %cond3A_274 : i32
        scf.if %cond3A_275 {
          %dma_wait3A_276 = arith.constant 2 : i32
          %dma_wait3A_277 = arith.constant 2 : i32
          %dma_wait3A_278 = arith.constant 0 : i32
          %dma_wait3A_279 = arith.constant 0 : i32
          %dma_wait3A_280 = tpu.memref_slice %arg6[%dma_wait3A_276, %dma_wait3A_278, %dma_wait3A_279] : memref<6x128x128xf32, #tpu.memory_space<vmem>> -> memref<1x128x128xf32, #tpu.memory_space<vmem>>
          %dma_wait3A_281 = tpu.memref_squeeze %dma_wait3A_280 : memref<1x128x128xf32, #tpu.memory_space<vmem>> -> memref<128x128xf32, #tpu.memory_space<vmem>>
          %dma_wait3A_282 = arith.constant 0 : i32
          %dma_wait3A_283 = tpu.memref_slice %arg4[%mul3A_2, %dma_wait3A_282] : memref<819200x128xf32, #tpu.memory_space<hbm>> -> memref<128x128xf32, #tpu.memory_space<hbm>>
          %dma_wait3A_284 = tpu.memref_slice %arg8[%dma_wait3A_277] : memref<6x!tpu.dma_semaphore, #tpu.memory_space<semaphore_mem>> -> memref<1x!tpu.dma_semaphore, #tpu.memory_space<semaphore_mem>>
          %dma_wait3A_285 = tpu.memref_squeeze %dma_wait3A_284 : memref<1x!tpu.dma_semaphore, #tpu.memory_space<semaphore_mem>> -> memref<!tpu.dma_semaphore, #tpu.memory_space<semaphore_mem>>
          %dma_wait3A_286 = arith.constant 0 : i32
          %dma_wait3A_287 = tpu.memref_slice %arg4[%mul3A_2, %dma_wait3A_286] : memref<819200x128xf32, #tpu.memory_space<hbm>> -> memref<128x128xf32, #tpu.memory_space<hbm>>
          %dma_wait3A_288 = arith.constant 0 : i32
          %dma_wait3A_289 = arith.constant 0 : i32
          %dma_wait3A_290 = tpu.memref_slice %arg6[%dma_wait3A_276, %dma_wait3A_288, %dma_wait3A_289] : memref<6x128x128xf32, #tpu.memory_space<vmem>> -> memref<1x128x128xf32, #tpu.memory_space<vmem>>
          %dma_wait3A_291 = tpu.memref_squeeze %dma_wait3A_290 : memref<1x128x128xf32, #tpu.memory_space<vmem>> -> memref<128x128xf32, #tpu.memory_space<vmem>>
          tpu.wait_dma2 semaphore(%dma_wait3A_285 : memref<!tpu.dma_semaphore, #tpu.memory_space<semaphore_mem>>) src(%dma_wait3A_291 : memref<128x128xf32, #tpu.memory_space<vmem>>) dst(%dma_wait3A_287 : memref<128x128xf32, #tpu.memory_space<hbm>>)
          %sub3A_292 = arith.constant 1 : i32
          %sub3A_293 = arith.subi %add3A_195, %sub3A_292 : i32
          %add3A_294 = arith.constant 6 : i32
          %add3A_295 = arith.addi %sub3A_293, %add3A_294 : i32
          %dma_start3A_296 = arith.constant 2 : i32
          %dma_start3A_297 = arith.constant 2 : i32
          %dma_start3A_298 = arith.constant 0 : i32
          %dma_start3A_299 = arith.constant 0 : i32
          %dma_start3A_300 = tpu.memref_slice %arg6[%dma_start3A_296, %dma_start3A_298, %dma_start3A_299] : memref<6x128x128xf32, #tpu.memory_space<vmem>> -> memref<1x128x128xf32, #tpu.memory_space<vmem>>
          %dma_start3A_301 = tpu.memref_squeeze %dma_start3A_300 : memref<1x128x128xf32, #tpu.memory_space<vmem>> -> memref<128x128xf32, #tpu.memory_space<vmem>>
          %dma_start3A_302 = arith.constant 0 : i32
          %dma_start3A_303 = tpu.memref_slice %arg5[%add3A_295, %dma_start3A_302] : memref<200x128xi32, #tpu.memory_space<vmem>> -> memref<1x128xi32, #tpu.memory_space<vmem>>
          %dma_start3A_304 = tpu.memref_squeeze %dma_start3A_303 : memref<1x128xi32, #tpu.memory_space<vmem>> -> memref<128xi32, #tpu.memory_space<vmem>>
          %dma_start3A_305 = arith.constant 0 : i32
          %dma_start3A_306 = arith.constant 0 : i32
          %dma_start3A_307 = tpu.memref_slice %arg2[%dma_start3A_305, %dma_start3A_306] : memref<100000x128xf32, #tpu.memory_space<hbm>> -> memref<100000x128xf32, #tpu.memory_space<hbm>>
          %dma_start3A_308 = tpu.memref_slice %arg7[%dma_start3A_297] : memref<6x!tpu.dma_semaphore, #tpu.memory_space<semaphore_mem>> -> memref<1x!tpu.dma_semaphore, #tpu.memory_space<semaphore_mem>>
          %dma_start3A_309 = tpu.memref_squeeze %dma_start3A_308 : memref<1x!tpu.dma_semaphore, #tpu.memory_space<semaphore_mem>> -> memref<!tpu.dma_semaphore, #tpu.memory_space<semaphore_mem>>
          tpu.enqueue_indirect_dma source(%dma_start3A_307 : memref<100000x128xf32, #tpu.memory_space<hbm>>) target(%dma_start3A_301 : memref<128x128xf32, #tpu.memory_space<vmem>>) offsets(%dma_start3A_304 : memref<128xi32, #tpu.memory_space<vmem>>) semaphore(%dma_start3A_309 : memref<!tpu.dma_semaphore, #tpu.memory_space<semaphore_mem>>)
        } else {
        }
      } else {
      }
      %rem3A_220 = arith.constant 6 : i32
      %rem3A_221 = arith.remsi %add3A_195, %rem3A_220 : i32
      %eq3A_222 = arith.constant 4 : i32
      %eq3A_223 = arith.cmpi eq, %rem3A_221, %eq3A_222 : i32
      %convert_element_type3A_224 = arith.extui %eq3A_223 : i1 to i32
      %cond3A_225 = arith.constant 0 : i32
      %cond3A_226 = arith.cmpi ne, %convert_element_type3A_224, %cond3A_225 : i32
      scf.if %cond3A_226 {
        %dma_wait3A_234 = arith.constant 0 : i32
        %dma_wait3A_235 = arith.constant 4 : i32
        %dma_wait3A_236 = arith.constant 4 : i32
        %dma_wait3A_237 = arith.constant 0 : i32
        %dma_wait3A_238 = arith.constant 0 : i32
        %dma_wait3A_239 = tpu.memref_slice %arg6[%dma_wait3A_235, %dma_wait3A_237, %dma_wait3A_238] : memref<6x128x128xf32, #tpu.memory_space<vmem>> -> memref<1x128x128xf32, #tpu.memory_space<vmem>>
        %dma_wait3A_240 = tpu.memref_squeeze %dma_wait3A_239 : memref<1x128x128xf32, #tpu.memory_space<vmem>> -> memref<128x128xf32, #tpu.memory_space<vmem>>
        %dma_wait3A_241 = arith.constant 0 : i32
        %dma_wait3A_242 = tpu.memref_slice %arg5[%dma_wait3A_234, %dma_wait3A_241] : memref<200x128xi32, #tpu.memory_space<vmem>> -> memref<1x128xi32, #tpu.memory_space<vmem>>
        %dma_wait3A_243 = tpu.memref_squeeze %dma_wait3A_242 : memref<1x128xi32, #tpu.memory_space<vmem>> -> memref<128xi32, #tpu.memory_space<vmem>>
        %dma_wait3A_244 = arith.constant 0 : i32
        %dma_wait3A_245 = arith.constant 0 : i32
        %dma_wait3A_246 = tpu.memref_slice %arg2[%dma_wait3A_244, %dma_wait3A_245] : memref<100000x128xf32, #tpu.memory_space<hbm>> -> memref<100000x128xf32, #tpu.memory_space<hbm>>
        %dma_wait3A_247 = tpu.memref_slice %arg7[%dma_wait3A_236] : memref<6x!tpu.dma_semaphore, #tpu.memory_space<semaphore_mem>> -> memref<1x!tpu.dma_semaphore, #tpu.memory_space<semaphore_mem>>
        %dma_wait3A_248 = tpu.memref_squeeze %dma_wait3A_247 : memref<1x!tpu.dma_semaphore, #tpu.memory_space<semaphore_mem>> -> memref<!tpu.dma_semaphore, #tpu.memory_space<semaphore_mem>>
        tpu.wait_indirect_dma semaphore(%dma_wait3A_248 : memref<!tpu.dma_semaphore, #tpu.memory_space<semaphore_mem>>) src(%dma_wait3A_246 : memref<100000x128xf32, #tpu.memory_space<hbm>>) dst(%dma_wait3A_240 : memref<128x128xf32, #tpu.memory_space<vmem>>)
        %mul3A_249 = arith.constant 128 : i32
        %mul3A_250 = arith.muli %add3A_195, %mul3A_249 : i32
        %add3A_251 = arith.addi %mul3A_2, %mul3A_250 : i32
        %dma_start3A_252 = arith.constant 4 : i32
        %dma_start3A_253 = arith.constant 4 : i32
        %dma_start3A_254 = arith.constant 0 : i32
        %dma_start3A_255 = arith.constant 0 : i32
        %dma_start3A_256 = tpu.memref_slice %arg6[%dma_start3A_252, %dma_start3A_254, %dma_start3A_255] : memref<6x128x128xf32, #tpu.memory_space<vmem>> -> memref<1x128x128xf32, #tpu.memory_space<vmem>>
        %dma_start3A_257 = tpu.memref_squeeze %dma_start3A_256 : memref<1x128x128xf32, #tpu.memory_space<vmem>> -> memref<128x128xf32, #tpu.memory_space<vmem>>
        %dma_start3A_258 = arith.constant 0 : i32
        %dma_start3A_259 = tpu.memref_slice %arg4[%add3A_251, %dma_start3A_258] : memref<819200x128xf32, #tpu.memory_space<hbm>> -> memref<128x128xf32, #tpu.memory_space<hbm>>
        %dma_start3A_260 = tpu.memref_slice %arg8[%dma_start3A_253] : memref<6x!tpu.dma_semaphore, #tpu.memory_space<semaphore_mem>> -> memref<1x!tpu.dma_semaphore, #tpu.memory_space<semaphore_mem>>
        %dma_start3A_261 = tpu.memref_squeeze %dma_start3A_260 : memref<1x!tpu.dma_semaphore, #tpu.memory_space<semaphore_mem>> -> memref<!tpu.dma_semaphore, #tpu.memory_space<semaphore_mem>>
        %dma_start3A_262 = arith.constant 0 : i32
        %dma_start3A_263 = tpu.memref_slice %arg4[%add3A_251, %dma_start3A_262] : memref<819200x128xf32, #tpu.memory_space<hbm>> -> memref<128x128xf32, #tpu.memory_space<hbm>>
        %dma_start3A_264 = arith.constant 0 : i32
        %dma_start3A_265 = arith.constant 0 : i32
        %dma_start3A_266 = tpu.memref_slice %arg6[%dma_start3A_252, %dma_start3A_264, %dma_start3A_265] : memref<6x128x128xf32, #tpu.memory_space<vmem>> -> memref<1x128x128xf32, #tpu.memory_space<vmem>>
        %dma_start3A_267 = tpu.memref_squeeze %dma_start3A_266 : memref<1x128x128xf32, #tpu.memory_space<vmem>> -> memref<128x128xf32, #tpu.memory_space<vmem>>
        tpu.enqueue_dma source(%dma_start3A_267 : memref<128x128xf32, #tpu.memory_space<vmem>>) target(%dma_start3A_263 : memref<128x128xf32, #tpu.memory_space<hbm>>) target_semaphore(%dma_start3A_261 : memref<!tpu.dma_semaphore, #tpu.memory_space<semaphore_mem>>)
        %ge3A = arith.constant 1 : i32
        %ge3A_268 = arith.cmpi sge, %add3A_195, %ge3A : i32
        %sub3A = arith.constant 1 : i32
        %sub3A_269 = arith.subi %add3A_195, %sub3A : i32
        %add3A_270 = arith.constant 6 : i32
        %add3A_271 = arith.addi %sub3A_269, %add3A_270 : i32
        %lt3A = arith.constant 200 : i32
        %lt3A_272 = arith.cmpi slt, %add3A_271, %lt3A : i32
        %and3A = arith.andi %ge3A_268, %lt3A_272 : i1
        %convert_element_type3A_273 = arith.extui %and3A : i1 to i32
        %cond3A_274 = arith.constant 0 : i32
        %cond3A_275 = arith.cmpi ne, %convert_element_type3A_273, %cond3A_274 : i32
        scf.if %cond3A_275 {
          %dma_wait3A_276 = arith.constant 3 : i32
          %dma_wait3A_277 = arith.constant 3 : i32
          %dma_wait3A_278 = arith.constant 0 : i32
          %dma_wait3A_279 = arith.constant 0 : i32
          %dma_wait3A_280 = tpu.memref_slice %arg6[%dma_wait3A_276, %dma_wait3A_278, %dma_wait3A_279] : memref<6x128x128xf32, #tpu.memory_space<vmem>> -> memref<1x128x128xf32, #tpu.memory_space<vmem>>
          %dma_wait3A_281 = tpu.memref_squeeze %dma_wait3A_280 : memref<1x128x128xf32, #tpu.memory_space<vmem>> -> memref<128x128xf32, #tpu.memory_space<vmem>>
          %dma_wait3A_282 = arith.constant 0 : i32
          %dma_wait3A_283 = tpu.memref_slice %arg4[%mul3A_2, %dma_wait3A_282] : memref<819200x128xf32, #tpu.memory_space<hbm>> -> memref<128x128xf32, #tpu.memory_space<hbm>>
          %dma_wait3A_284 = tpu.memref_slice %arg8[%dma_wait3A_277] : memref<6x!tpu.dma_semaphore, #tpu.memory_space<semaphore_mem>> -> memref<1x!tpu.dma_semaphore, #tpu.memory_space<semaphore_mem>>
          %dma_wait3A_285 = tpu.memref_squeeze %dma_wait3A_284 : memref<1x!tpu.dma_semaphore, #tpu.memory_space<semaphore_mem>> -> memref<!tpu.dma_semaphore, #tpu.memory_space<semaphore_mem>>
          %dma_wait3A_286 = arith.constant 0 : i32
          %dma_wait3A_287 = tpu.memref_slice %arg4[%mul3A_2, %dma_wait3A_286] : memref<819200x128xf32, #tpu.memory_space<hbm>> -> memref<128x128xf32, #tpu.memory_space<hbm>>
          %dma_wait3A_288 = arith.constant 0 : i32
          %dma_wait3A_289 = arith.constant 0 : i32
          %dma_wait3A_290 = tpu.memref_slice %arg6[%dma_wait3A_276, %dma_wait3A_288, %dma_wait3A_289] : memref<6x128x128xf32, #tpu.memory_space<vmem>> -> memref<1x128x128xf32, #tpu.memory_space<vmem>>
          %dma_wait3A_291 = tpu.memref_squeeze %dma_wait3A_290 : memref<1x128x128xf32, #tpu.memory_space<vmem>> -> memref<128x128xf32, #tpu.memory_space<vmem>>
          tpu.wait_dma2 semaphore(%dma_wait3A_285 : memref<!tpu.dma_semaphore, #tpu.memory_space<semaphore_mem>>) src(%dma_wait3A_291 : memref<128x128xf32, #tpu.memory_space<vmem>>) dst(%dma_wait3A_287 : memref<128x128xf32, #tpu.memory_space<hbm>>)
          %sub3A_292 = arith.constant 1 : i32
          %sub3A_293 = arith.subi %add3A_195, %sub3A_292 : i32
          %add3A_294 = arith.constant 6 : i32
          %add3A_295 = arith.addi %sub3A_293, %add3A_294 : i32
          %dma_start3A_296 = arith.constant 3 : i32
          %dma_start3A_297 = arith.constant 3 : i32
          %dma_start3A_298 = arith.constant 0 : i32
          %dma_start3A_299 = arith.constant 0 : i32
          %dma_start3A_300 = tpu.memref_slice %arg6[%dma_start3A_296, %dma_start3A_298, %dma_start3A_299] : memref<6x128x128xf32, #tpu.memory_space<vmem>> -> memref<1x128x128xf32, #tpu.memory_space<vmem>>
          %dma_start3A_301 = tpu.memref_squeeze %dma_start3A_300 : memref<1x128x128xf32, #tpu.memory_space<vmem>> -> memref<128x128xf32, #tpu.memory_space<vmem>>
          %dma_start3A_302 = arith.constant 0 : i32
          %dma_start3A_303 = tpu.memref_slice %arg5[%add3A_295, %dma_start3A_302] : memref<200x128xi32, #tpu.memory_space<vmem>> -> memref<1x128xi32, #tpu.memory_space<vmem>>
          %dma_start3A_304 = tpu.memref_squeeze %dma_start3A_303 : memref<1x128xi32, #tpu.memory_space<vmem>> -> memref<128xi32, #tpu.memory_space<vmem>>
          %dma_start3A_305 = arith.constant 0 : i32
          %dma_start3A_306 = arith.constant 0 : i32
          %dma_start3A_307 = tpu.memref_slice %arg2[%dma_start3A_305, %dma_start3A_306] : memref<100000x128xf32, #tpu.memory_space<hbm>> -> memref<100000x128xf32, #tpu.memory_space<hbm>>
          %dma_start3A_308 = tpu.memref_slice %arg7[%dma_start3A_297] : memref<6x!tpu.dma_semaphore, #tpu.memory_space<semaphore_mem>> -> memref<1x!tpu.dma_semaphore, #tpu.memory_space<semaphore_mem>>
          %dma_start3A_309 = tpu.memref_squeeze %dma_start3A_308 : memref<1x!tpu.dma_semaphore, #tpu.memory_space<semaphore_mem>> -> memref<!tpu.dma_semaphore, #tpu.memory_space<semaphore_mem>>
          tpu.enqueue_indirect_dma source(%dma_start3A_307 : memref<100000x128xf32, #tpu.memory_space<hbm>>) target(%dma_start3A_301 : memref<128x128xf32, #tpu.memory_space<vmem>>) offsets(%dma_start3A_304 : memref<128xi32, #tpu.memory_space<vmem>>) semaphore(%dma_start3A_309 : memref<!tpu.dma_semaphore, #tpu.memory_space<semaphore_mem>>)
        } else {
        }
      } else {
      }
      %rem3A_227 = arith.constant 6 : i32
      %rem3A_228 = arith.remsi %add3A_195, %rem3A_227 : i32
      %eq3A_229 = arith.constant 5 : i32
      %eq3A_230 = arith.cmpi eq, %rem3A_228, %eq3A_229 : i32
      %convert_element_type3A_231 = arith.extui %eq3A_230 : i1 to i32
      %cond3A_232 = arith.constant 0 : i32
      %cond3A_233 = arith.cmpi ne, %convert_element_type3A_231, %cond3A_232 : i32
      scf.if %cond3A_233 {
        %dma_wait3A_234 = arith.constant 0 : i32
        %dma_wait3A_235 = arith.constant 5 : i32
        %dma_wait3A_236 = arith.constant 5 : i32
        %dma_wait3A_237 = arith.constant 0 : i32
        %dma_wait3A_238 = arith.constant 0 : i32
        %dma_wait3A_239 = tpu.memref_slice %arg6[%dma_wait3A_235, %dma_wait3A_237, %dma_wait3A_238] : memref<6x128x128xf32, #tpu.memory_space<vmem>> -> memref<1x128x128xf32, #tpu.memory_space<vmem>>
        %dma_wait3A_240 = tpu.memref_squeeze %dma_wait3A_239 : memref<1x128x128xf32, #tpu.memory_space<vmem>> -> memref<128x128xf32, #tpu.memory_space<vmem>>
        %dma_wait3A_241 = arith.constant 0 : i32
        %dma_wait3A_242 = tpu.memref_slice %arg5[%dma_wait3A_234, %dma_wait3A_241] : memref<200x128xi32, #tpu.memory_space<vmem>> -> memref<1x128xi32, #tpu.memory_space<vmem>>
        %dma_wait3A_243 = tpu.memref_squeeze %dma_wait3A_242 : memref<1x128xi32, #tpu.memory_space<vmem>> -> memref<128xi32, #tpu.memory_space<vmem>>
        %dma_wait3A_244 = arith.constant 0 : i32
        %dma_wait3A_245 = arith.constant 0 : i32
        %dma_wait3A_246 = tpu.memref_slice %arg2[%dma_wait3A_244, %dma_wait3A_245] : memref<100000x128xf32, #tpu.memory_space<hbm>> -> memref<100000x128xf32, #tpu.memory_space<hbm>>
        %dma_wait3A_247 = tpu.memref_slice %arg7[%dma_wait3A_236] : memref<6x!tpu.dma_semaphore, #tpu.memory_space<semaphore_mem>> -> memref<1x!tpu.dma_semaphore, #tpu.memory_space<semaphore_mem>>
        %dma_wait3A_248 = tpu.memref_squeeze %dma_wait3A_247 : memref<1x!tpu.dma_semaphore, #tpu.memory_space<semaphore_mem>> -> memref<!tpu.dma_semaphore, #tpu.memory_space<semaphore_mem>>
        tpu.wait_indirect_dma semaphore(%dma_wait3A_248 : memref<!tpu.dma_semaphore, #tpu.memory_space<semaphore_mem>>) src(%dma_wait3A_246 : memref<100000x128xf32, #tpu.memory_space<hbm>>) dst(%dma_wait3A_240 : memref<128x128xf32, #tpu.memory_space<vmem>>)
        %mul3A_249 = arith.constant 128 : i32
        %mul3A_250 = arith.muli %add3A_195, %mul3A_249 : i32
        %add3A_251 = arith.addi %mul3A_2, %mul3A_250 : i32
        %dma_start3A_252 = arith.constant 5 : i32
        %dma_start3A_253 = arith.constant 5 : i32
        %dma_start3A_254 = arith.constant 0 : i32
        %dma_start3A_255 = arith.constant 0 : i32
        %dma_start3A_256 = tpu.memref_slice %arg6[%dma_start3A_252, %dma_start3A_254, %dma_start3A_255] : memref<6x128x128xf32, #tpu.memory_space<vmem>> -> memref<1x128x128xf32, #tpu.memory_space<vmem>>
        %dma_start3A_257 = tpu.memref_squeeze %dma_start3A_256 : memref<1x128x128xf32, #tpu.memory_space<vmem>> -> memref<128x128xf32, #tpu.memory_space<vmem>>
        %dma_start3A_258 = arith.constant 0 : i32
        %dma_start3A_259 = tpu.memref_slice %arg4[%add3A_251, %dma_start3A_258] : memref<819200x128xf32, #tpu.memory_space<hbm>> -> memref<128x128xf32, #tpu.memory_space<hbm>>
        %dma_start3A_260 = tpu.memref_slice %arg8[%dma_start3A_253] : memref<6x!tpu.dma_semaphore, #tpu.memory_space<semaphore_mem>> -> memref<1x!tpu.dma_semaphore, #tpu.memory_space<semaphore_mem>>
        %dma_start3A_261 = tpu.memref_squeeze %dma_start3A_260 : memref<1x!tpu.dma_semaphore, #tpu.memory_space<semaphore_mem>> -> memref<!tpu.dma_semaphore, #tpu.memory_space<semaphore_mem>>
        %dma_start3A_262 = arith.constant 0 : i32
        %dma_start3A_263 = tpu.memref_slice %arg4[%add3A_251, %dma_start3A_262] : memref<819200x128xf32, #tpu.memory_space<hbm>> -> memref<128x128xf32, #tpu.memory_space<hbm>>
        %dma_start3A_264 = arith.constant 0 : i32
        %dma_start3A_265 = arith.constant 0 : i32
        %dma_start3A_266 = tpu.memref_slice %arg6[%dma_start3A_252, %dma_start3A_264, %dma_start3A_265] : memref<6x128x128xf32, #tpu.memory_space<vmem>> -> memref<1x128x128xf32, #tpu.memory_space<vmem>>
        %dma_start3A_267 = tpu.memref_squeeze %dma_start3A_266 : memref<1x128x128xf32, #tpu.memory_space<vmem>> -> memref<128x128xf32, #tpu.memory_space<vmem>>
        tpu.enqueue_dma source(%dma_start3A_267 : memref<128x128xf32, #tpu.memory_space<vmem>>) target(%dma_start3A_263 : memref<128x128xf32, #tpu.memory_space<hbm>>) target_semaphore(%dma_start3A_261 : memref<!tpu.dma_semaphore, #tpu.memory_space<semaphore_mem>>)
        %ge3A = arith.constant 1 : i32
        %ge3A_268 = arith.cmpi sge, %add3A_195, %ge3A : i32
        %sub3A = arith.constant 1 : i32
        %sub3A_269 = arith.subi %add3A_195, %sub3A : i32
        %add3A_270 = arith.constant 6 : i32
        %add3A_271 = arith.addi %sub3A_269, %add3A_270 : i32
        %lt3A = arith.constant 200 : i32
        %lt3A_272 = arith.cmpi slt, %add3A_271, %lt3A : i32
        %and3A = arith.andi %ge3A_268, %lt3A_272 : i1
        %convert_element_type3A_273 = arith.extui %and3A : i1 to i32
        %cond3A_274 = arith.constant 0 : i32
        %cond3A_275 = arith.cmpi ne, %convert_element_type3A_273, %cond3A_274 : i32
        scf.if %cond3A_275 {
          %dma_wait3A_276 = arith.constant 4 : i32
          %dma_wait3A_277 = arith.constant 4 : i32
          %dma_wait3A_278 = arith.constant 0 : i32
          %dma_wait3A_279 = arith.constant 0 : i32
          %dma_wait3A_280 = tpu.memref_slice %arg6[%dma_wait3A_276, %dma_wait3A_278, %dma_wait3A_279] : memref<6x128x128xf32, #tpu.memory_space<vmem>> -> memref<1x128x128xf32, #tpu.memory_space<vmem>>
          %dma_wait3A_281 = tpu.memref_squeeze %dma_wait3A_280 : memref<1x128x128xf32, #tpu.memory_space<vmem>> -> memref<128x128xf32, #tpu.memory_space<vmem>>
          %dma_wait3A_282 = arith.constant 0 : i32
          %dma_wait3A_283 = tpu.memref_slice %arg4[%mul3A_2, %dma_wait3A_282] : memref<819200x128xf32, #tpu.memory_space<hbm>> -> memref<128x128xf32, #tpu.memory_space<hbm>>
          %dma_wait3A_284 = tpu.memref_slice %arg8[%dma_wait3A_277] : memref<6x!tpu.dma_semaphore, #tpu.memory_space<semaphore_mem>> -> memref<1x!tpu.dma_semaphore, #tpu.memory_space<semaphore_mem>>
          %dma_wait3A_285 = tpu.memref_squeeze %dma_wait3A_284 : memref<1x!tpu.dma_semaphore, #tpu.memory_space<semaphore_mem>> -> memref<!tpu.dma_semaphore, #tpu.memory_space<semaphore_mem>>
          %dma_wait3A_286 = arith.constant 0 : i32
          %dma_wait3A_287 = tpu.memref_slice %arg4[%mul3A_2, %dma_wait3A_286] : memref<819200x128xf32, #tpu.memory_space<hbm>> -> memref<128x128xf32, #tpu.memory_space<hbm>>
          %dma_wait3A_288 = arith.constant 0 : i32
          %dma_wait3A_289 = arith.constant 0 : i32
          %dma_wait3A_290 = tpu.memref_slice %arg6[%dma_wait3A_276, %dma_wait3A_288, %dma_wait3A_289] : memref<6x128x128xf32, #tpu.memory_space<vmem>> -> memref<1x128x128xf32, #tpu.memory_space<vmem>>
          %dma_wait3A_291 = tpu.memref_squeeze %dma_wait3A_290 : memref<1x128x128xf32, #tpu.memory_space<vmem>> -> memref<128x128xf32, #tpu.memory_space<vmem>>
          tpu.wait_dma2 semaphore(%dma_wait3A_285 : memref<!tpu.dma_semaphore, #tpu.memory_space<semaphore_mem>>) src(%dma_wait3A_291 : memref<128x128xf32, #tpu.memory_space<vmem>>) dst(%dma_wait3A_287 : memref<128x128xf32, #tpu.memory_space<hbm>>)
          %sub3A_292 = arith.constant 1 : i32
          %sub3A_293 = arith.subi %add3A_195, %sub3A_292 : i32
          %add3A_294 = arith.constant 6 : i32
          %add3A_295 = arith.addi %sub3A_293, %add3A_294 : i32
          %dma_start3A_296 = arith.constant 4 : i32
          %dma_start3A_297 = arith.constant 4 : i32
          %dma_start3A_298 = arith.constant 0 : i32
          %dma_start3A_299 = arith.constant 0 : i32
          %dma_start3A_300 = tpu.memref_slice %arg6[%dma_start3A_296, %dma_start3A_298, %dma_start3A_299] : memref<6x128x128xf32, #tpu.memory_space<vmem>> -> memref<1x128x128xf32, #tpu.memory_space<vmem>>
          %dma_start3A_301 = tpu.memref_squeeze %dma_start3A_300 : memref<1x128x128xf32, #tpu.memory_space<vmem>> -> memref<128x128xf32, #tpu.memory_space<vmem>>
          %dma_start3A_302 = arith.constant 0 : i32
          %dma_start3A_303 = tpu.memref_slice %arg5[%add3A_295, %dma_start3A_302] : memref<200x128xi32, #tpu.memory_space<vmem>> -> memref<1x128xi32, #tpu.memory_space<vmem>>
          %dma_start3A_304 = tpu.memref_squeeze %dma_start3A_303 : memref<1x128xi32, #tpu.memory_space<vmem>> -> memref<128xi32, #tpu.memory_space<vmem>>
          %dma_start3A_305 = arith.constant 0 : i32
          %dma_start3A_306 = arith.constant 0 : i32
          %dma_start3A_307 = tpu.memref_slice %arg2[%dma_start3A_305, %dma_start3A_306] : memref<100000x128xf32, #tpu.memory_space<hbm>> -> memref<100000x128xf32, #tpu.memory_space<hbm>>
          %dma_start3A_308 = tpu.memref_slice %arg7[%dma_start3A_297] : memref<6x!tpu.dma_semaphore, #tpu.memory_space<semaphore_mem>> -> memref<1x!tpu.dma_semaphore, #tpu.memory_space<semaphore_mem>>
          %dma_start3A_309 = tpu.memref_squeeze %dma_start3A_308 : memref<1x!tpu.dma_semaphore, #tpu.memory_space<semaphore_mem>> -> memref<!tpu.dma_semaphore, #tpu.memory_space<semaphore_mem>>
          tpu.enqueue_indirect_dma source(%dma_start3A_307 : memref<100000x128xf32, #tpu.memory_space<hbm>>) target(%dma_start3A_301 : memref<128x128xf32, #tpu.memory_space<vmem>>) offsets(%dma_start3A_304 : memref<128xi32, #tpu.memory_space<vmem>>) semaphore(%dma_start3A_309 : memref<!tpu.dma_semaphore, #tpu.memory_space<semaphore_mem>>)
        } else {
        }
      } else {
      }
    }
    %scan3A_95 = arith.constant 200 : i32
    %dma_wait3A = arith.constant 2 : i32
    %dma_wait3A_96 = arith.constant 2 : i32
    %dma_wait3A_97 = arith.constant 0 : i32
    %dma_wait3A_98 = arith.constant 0 : i32
    %dma_wait3A_99 = tpu.memref_slice %arg6[%dma_wait3A, %dma_wait3A_97, %dma_wait3A_98] : memref<6x128x128xf32, #tpu.memory_space<vmem>> -> memref<1x128x128xf32, #tpu.memory_space<vmem>>
    %dma_wait3A_100 = tpu.memref_squeeze %dma_wait3A_99 : memref<1x128x128xf32, #tpu.memory_space<vmem>> -> memref<128x128xf32, #tpu.memory_space<vmem>>
    %dma_wait3A_101 = arith.constant 0 : i32
    %dma_wait3A_102 = tpu.memref_slice %arg4[%mul3A_2, %dma_wait3A_101] : memref<819200x128xf32, #tpu.memory_space<hbm>> -> memref<128x128xf32, #tpu.memory_space<hbm>>
    %dma_wait3A_103 = tpu.memref_slice %arg8[%dma_wait3A_96] : memref<6x!tpu.dma_semaphore, #tpu.memory_space<semaphore_mem>> -> memref<1x!tpu.dma_semaphore, #tpu.memory_space<semaphore_mem>>
    %dma_wait3A_104 = tpu.memref_squeeze %dma_wait3A_103 : memref<1x!tpu.dma_semaphore, #tpu.memory_space<semaphore_mem>> -> memref<!tpu.dma_semaphore, #tpu.memory_space<semaphore_mem>>
    %dma_wait3A_105 = arith.constant 0 : i32
    %dma_wait3A_106 = tpu.memref_slice %arg4[%mul3A_2, %dma_wait3A_105] : memref<819200x128xf32, #tpu.memory_space<hbm>> -> memref<128x128xf32, #tpu.memory_space<hbm>>
    %dma_wait3A_107 = arith.constant 0 : i32
    %dma_wait3A_108 = arith.constant 0 : i32
    %dma_wait3A_109 = tpu.memref_slice %arg6[%dma_wait3A, %dma_wait3A_107, %dma_wait3A_108] : memref<6x128x128xf32, #tpu.memory_space<vmem>> -> memref<1x128x128xf32, #tpu.memory_space<vmem>>
    %dma_wait3A_110 = tpu.memref_squeeze %dma_wait3A_109 : memref<1x128x128xf32, #tpu.memory_space<vmem>> -> memref<128x128xf32, #tpu.memory_space<vmem>>
    tpu.wait_dma2 semaphore(%dma_wait3A_104 : memref<!tpu.dma_semaphore, #tpu.memory_space<semaphore_mem>>) src(%dma_wait3A_110 : memref<128x128xf32, #tpu.memory_space<vmem>>) dst(%dma_wait3A_106 : memref<128x128xf32, #tpu.memory_space<hbm>>)
    %dma_wait3A_111 = arith.constant 3 : i32
    %dma_wait3A_112 = arith.constant 3 : i32
    %dma_wait3A_113 = arith.constant 0 : i32
    %dma_wait3A_114 = arith.constant 0 : i32
    %dma_wait3A_115 = tpu.memref_slice %arg6[%dma_wait3A_111, %dma_wait3A_113, %dma_wait3A_114] : memref<6x128x128xf32, #tpu.memory_space<vmem>> -> memref<1x128x128xf32, #tpu.memory_space<vmem>>
    %dma_wait3A_116 = tpu.memref_squeeze %dma_wait3A_115 : memref<1x128x128xf32, #tpu.memory_space<vmem>> -> memref<128x128xf32, #tpu.memory_space<vmem>>
    %dma_wait3A_117 = arith.constant 0 : i32
    %dma_wait3A_118 = tpu.memref_slice %arg4[%mul3A_2, %dma_wait3A_117] : memref<819200x128xf32, #tpu.memory_space<hbm>> -> memref<128x128xf32, #tpu.memory_space<hbm>>
    %dma_wait3A_119 = tpu.memref_slice %arg8[%dma_wait3A_112] : memref<6x!tpu.dma_semaphore, #tpu.memory_space<semaphore_mem>> -> memref<1x!tpu.dma_semaphore, #tpu.memory_space<semaphore_mem>>
    %dma_wait3A_120 = tpu.memref_squeeze %dma_wait3A_119 : memref<1x!tpu.dma_semaphore, #tpu.memory_space<semaphore_mem>> -> memref<!tpu.dma_semaphore, #tpu.memory_space<semaphore_mem>>
    %dma_wait3A_121 = arith.constant 0 : i32
    %dma_wait3A_122 = tpu.memref_slice %arg4[%mul3A_2, %dma_wait3A_121] : memref<819200x128xf32, #tpu.memory_space<hbm>> -> memref<128x128xf32, #tpu.memory_space<hbm>>
    %dma_wait3A_123 = arith.constant 0 : i32
    %dma_wait3A_124 = arith.constant 0 : i32
    %dma_wait3A_125 = tpu.memref_slice %arg6[%dma_wait3A_111, %dma_wait3A_123, %dma_wait3A_124] : memref<6x128x128xf32, #tpu.memory_space<vmem>> -> memref<1x128x128xf32, #tpu.memory_space<vmem>>
    %dma_wait3A_126 = tpu.memref_squeeze %dma_wait3A_125 : memref<1x128x128xf32, #tpu.memory_space<vmem>> -> memref<128x128xf32, #tpu.memory_space<vmem>>
    tpu.wait_dma2 semaphore(%dma_wait3A_120 : memref<!tpu.dma_semaphore, #tpu.memory_space<semaphore_mem>>) src(%dma_wait3A_126 : memref<128x128xf32, #tpu.memory_space<vmem>>) dst(%dma_wait3A_122 : memref<128x128xf32, #tpu.memory_space<hbm>>)
    %dma_wait3A_127 = arith.constant 4 : i32
    %dma_wait3A_128 = arith.constant 4 : i32
    %dma_wait3A_129 = arith.constant 0 : i32
    %dma_wait3A_130 = arith.constant 0 : i32
    %dma_wait3A_131 = tpu.memref_slice %arg6[%dma_wait3A_127, %dma_wait3A_129, %dma_wait3A_130] : memref<6x128x128xf32, #tpu.memory_space<vmem>> -> memref<1x128x128xf32, #tpu.memory_space<vmem>>
    %dma_wait3A_132 = tpu.memref_squeeze %dma_wait3A_131 : memref<1x128x128xf32, #tpu.memory_space<vmem>> -> memref<128x128xf32, #tpu.memory_space<vmem>>
    %dma_wait3A_133 = arith.constant 0 : i32
    %dma_wait3A_134 = tpu.memref_slice %arg4[%mul3A_2, %dma_wait3A_133] : memref<819200x128xf32, #tpu.memory_space<hbm>> -> memref<128x128xf32, #tpu.memory_space<hbm>>
    %dma_wait3A_135 = tpu.memref_slice %arg8[%dma_wait3A_128] : memref<6x!tpu.dma_semaphore, #tpu.memory_space<semaphore_mem>> -> memref<1x!tpu.dma_semaphore, #tpu.memory_space<semaphore_mem>>
    %dma_wait3A_136 = tpu.memref_squeeze %dma_wait3A_135 : memref<1x!tpu.dma_semaphore, #tpu.memory_space<semaphore_mem>> -> memref<!tpu.dma_semaphore, #tpu.memory_space<semaphore_mem>>
    %dma_wait3A_137 = arith.constant 0 : i32
    %dma_wait3A_138 = tpu.memref_slice %arg4[%mul3A_2, %dma_wait3A_137] : memref<819200x128xf32, #tpu.memory_space<hbm>> -> memref<128x128xf32, #tpu.memory_space<hbm>>
    %dma_wait3A_139 = arith.constant 0 : i32
    %dma_wait3A_140 = arith.constant 0 : i32
    %dma_wait3A_141 = tpu.memref_slice %arg6[%dma_wait3A_127, %dma_wait3A_139, %dma_wait3A_140] : memref<6x128x128xf32, #tpu.memory_space<vmem>> -> memref<1x128x128xf32, #tpu.memory_space<vmem>>
    %dma_wait3A_142 = tpu.memref_squeeze %dma_wait3A_141 : memref<1x128x128xf32, #tpu.memory_space<vmem>> -> memref<128x128xf32, #tpu.memory_space<vmem>>
    tpu.wait_dma2 semaphore(%dma_wait3A_136 : memref<!tpu.dma_semaphore, #tpu.memory_space<semaphore_mem>>) src(%dma_wait3A_142 : memref<128x128xf32, #tpu.memory_space<vmem>>) dst(%dma_wait3A_138 : memref<128x128xf32, #tpu.memory_space<hbm>>)
    %dma_wait3A_143 = arith.constant 5 : i32
    %dma_wait3A_144 = arith.constant 5 : i32
    %dma_wait3A_145 = arith.constant 0 : i32
    %dma_wait3A_146 = arith.constant 0 : i32
    %dma_wait3A_147 = tpu.memref_slice %arg6[%dma_wait3A_143, %dma_wait3A_145, %dma_wait3A_146] : memref<6x128x128xf32, #tpu.memory_space<vmem>> -> memref<1x128x128xf32, #tpu.memory_space<vmem>>
    %dma_wait3A_148 = tpu.memref_squeeze %dma_wait3A_147 : memref<1x128x128xf32, #tpu.memory_space<vmem>> -> memref<128x128xf32, #tpu.memory_space<vmem>>
    %dma_wait3A_149 = arith.constant 0 : i32
    %dma_wait3A_150 = tpu.memref_slice %arg4[%mul3A_2, %dma_wait3A_149] : memref<819200x128xf32, #tpu.memory_space<hbm>> -> memref<128x128xf32, #tpu.memory_space<hbm>>
    %dma_wait3A_151 = tpu.memref_slice %arg8[%dma_wait3A_144] : memref<6x!tpu.dma_semaphore, #tpu.memory_space<semaphore_mem>> -> memref<1x!tpu.dma_semaphore, #tpu.memory_space<semaphore_mem>>
    %dma_wait3A_152 = tpu.memref_squeeze %dma_wait3A_151 : memref<1x!tpu.dma_semaphore, #tpu.memory_space<semaphore_mem>> -> memref<!tpu.dma_semaphore, #tpu.memory_space<semaphore_mem>>
    %dma_wait3A_153 = arith.constant 0 : i32
    %dma_wait3A_154 = tpu.memref_slice %arg4[%mul3A_2, %dma_wait3A_153] : memref<819200x128xf32, #tpu.memory_space<hbm>> -> memref<128x128xf32, #tpu.memory_space<hbm>>
    %dma_wait3A_155 = arith.constant 0 : i32
    %dma_wait3A_156 = arith.constant 0 : i32
    %dma_wait3A_157 = tpu.memref_slice %arg6[%dma_wait3A_143, %dma_wait3A_155, %dma_wait3A_156] : memref<6x128x128xf32, #tpu.memory_space<vmem>> -> memref<1x128x128xf32, #tpu.memory_space<vmem>>
    %dma_wait3A_158 = tpu.memref_squeeze %dma_wait3A_157 : memref<1x128x128xf32, #tpu.memory_space<vmem>> -> memref<128x128xf32, #tpu.memory_space<vmem>>
    tpu.wait_dma2 semaphore(%dma_wait3A_152 : memref<!tpu.dma_semaphore, #tpu.memory_space<semaphore_mem>>) src(%dma_wait3A_158 : memref<128x128xf32, #tpu.memory_space<vmem>>) dst(%dma_wait3A_154 : memref<128x128xf32, #tpu.memory_space<hbm>>)
    %dma_wait3A_159 = arith.constant 0 : i32
    %dma_wait3A_160 = arith.constant 0 : i32
    %dma_wait3A_161 = arith.constant 0 : i32
    %dma_wait3A_162 = arith.constant 0 : i32
    %dma_wait3A_163 = tpu.memref_slice %arg6[%dma_wait3A_159, %dma_wait3A_161, %dma_wait3A_162] : memref<6x128x128xf32, #tpu.memory_space<vmem>> -> memref<1x128x128xf32, #tpu.memory_space<vmem>>
    %dma_wait3A_164 = tpu.memref_squeeze %dma_wait3A_163 : memref<1x128x128xf32, #tpu.memory_space<vmem>> -> memref<128x128xf32, #tpu.memory_space<vmem>>
    %dma_wait3A_165 = arith.constant 0 : i32
    %dma_wait3A_166 = tpu.memref_slice %arg4[%mul3A_2, %dma_wait3A_165] : memref<819200x128xf32, #tpu.memory_space<hbm>> -> memref<128x128xf32, #tpu.memory_space<hbm>>
    %dma_wait3A_167 = tpu.memref_slice %arg8[%dma_wait3A_160] : memref<6x!tpu.dma_semaphore, #tpu.memory_space<semaphore_mem>> -> memref<1x!tpu.dma_semaphore, #tpu.memory_space<semaphore_mem>>
    %dma_wait3A_168 = tpu.memref_squeeze %dma_wait3A_167 : memref<1x!tpu.dma_semaphore, #tpu.memory_space<semaphore_mem>> -> memref<!tpu.dma_semaphore, #tpu.memory_space<semaphore_mem>>
    %dma_wait3A_169 = arith.constant 0 : i32
    %dma_wait3A_170 = tpu.memref_slice %arg4[%mul3A_2, %dma_wait3A_169] : memref<819200x128xf32, #tpu.memory_space<hbm>> -> memref<128x128xf32, #tpu.memory_space<hbm>>
    %dma_wait3A_171 = arith.constant 0 : i32
    %dma_wait3A_172 = arith.constant 0 : i32
    %dma_wait3A_173 = tpu.memref_slice %arg6[%dma_wait3A_159, %dma_wait3A_171, %dma_wait3A_172] : memref<6x128x128xf32, #tpu.memory_space<vmem>> -> memref<1x128x128xf32, #tpu.memory_space<vmem>>
    %dma_wait3A_174 = tpu.memref_squeeze %dma_wait3A_173 : memref<1x128x128xf32, #tpu.memory_space<vmem>> -> memref<128x128xf32, #tpu.memory_space<vmem>>
    tpu.wait_dma2 semaphore(%dma_wait3A_168 : memref<!tpu.dma_semaphore, #tpu.memory_space<semaphore_mem>>) src(%dma_wait3A_174 : memref<128x128xf32, #tpu.memory_space<vmem>>) dst(%dma_wait3A_170 : memref<128x128xf32, #tpu.memory_space<hbm>>)
    %dma_wait3A_175 = arith.constant 1 : i32
    %dma_wait3A_176 = arith.constant 1 : i32
    %dma_wait3A_177 = arith.constant 0 : i32
    %dma_wait3A_178 = arith.constant 0 : i32
    %dma_wait3A_179 = tpu.memref_slice %arg6[%dma_wait3A_175, %dma_wait3A_177, %dma_wait3A_178] : memref<6x128x128xf32, #tpu.memory_space<vmem>> -> memref<1x128x128xf32, #tpu.memory_space<vmem>>
    %dma_wait3A_180 = tpu.memref_squeeze %dma_wait3A_179 : memref<1x128x128xf32, #tpu.memory_space<vmem>> -> memref<128x128xf32, #tpu.memory_space<vmem>>
    %dma_wait3A_181 = arith.constant 0 : i32
    %dma_wait3A_182 = tpu.memref_slice %arg4[%mul3A_2, %dma_wait3A_181] : memref<819200x128xf32, #tpu.memory_space<hbm>> -> memref<128x128xf32, #tpu.memory_space<hbm>>
    %dma_wait3A_183 = tpu.memref_slice %arg8[%dma_wait3A_176] : memref<6x!tpu.dma_semaphore, #tpu.memory_space<semaphore_mem>> -> memref<1x!tpu.dma_semaphore, #tpu.memory_space<semaphore_mem>>
    %dma_wait3A_184 = tpu.memref_squeeze %dma_wait3A_183 : memref<1x!tpu.dma_semaphore, #tpu.memory_space<semaphore_mem>> -> memref<!tpu.dma_semaphore, #tpu.memory_space<semaphore_mem>>
    %dma_wait3A_185 = arith.constant 0 : i32
    %dma_wait3A_186 = tpu.memref_slice %arg4[%mul3A_2, %dma_wait3A_185] : memref<819200x128xf32, #tpu.memory_space<hbm>> -> memref<128x128xf32, #tpu.memory_space<hbm>>
    %dma_wait3A_187 = arith.constant 0 : i32
    %dma_wait3A_188 = arith.constant 0 : i32
    %dma_wait3A_189 = tpu.memref_slice %arg6[%dma_wait3A_175, %dma_wait3A_187, %dma_wait3A_188] : memref<6x128x128xf32, #tpu.memory_space<vmem>> -> memref<1x128x128xf32, #tpu.memory_space<vmem>>
    %dma_wait3A_190 = tpu.memref_squeeze %dma_wait3A_189 : memref<1x128x128xf32, #tpu.memory_space<vmem>> -> memref<128x128xf32, #tpu.memory_space<vmem>>
    tpu.wait_dma2 semaphore(%dma_wait3A_184 : memref<!tpu.dma_semaphore, #tpu.memory_space<semaphore_mem>>) src(%dma_wait3A_190 : memref<128x128xf32, #tpu.memory_space<vmem>>) dst(%dma_wait3A_186 : memref<128x128xf32, #tpu.memory_space<hbm>>)
    return
  }
}

</mosaic_0001>

<sc_bundles>
// kernel: kernel.3.cloned.1.call-start
scs
__scs_entry_jumppad:
0x0: {  	(pc) =	sbr.rel $0x88, $3  }
0x1: {  	(tag) =	ssettag $0x0;
	lr =	simm.s32 $0x1  }
0x2: {  	[smem:$0x3F9F] =	sst lr;
	_ =	strace $0xD0000000  }
0x3: {  	_ = 	snop  }
0x4: {  	_ = 	snop  }
0x5: {  	_ = 	snop  }
0x6: {  	_ = 	snop  }
0x7: {  	_ = 	snop  }
__scs_overlays_trampoline_lowered:
0x8: {  	[smem:$0x3FAE] =	sst s0  }
0x9: {  	[smem:$0x3FAF] =	sst s1  }
0xa: {  	[smem:$0x3FB0] =	sst s2  }
0xb: {  	[smem:$0x3FB1] =	sst s3  }
0xc: {  	[smem:$0x3FB2] =	sst s4  }
0xd: {  	[smem:$0x3FB3] =	sst s5  }
0xe: {  	[smem:$0x3FB4] =	sst s6  }
0xf: {  	[smem:$0x3FB5] =	sst s7  }
0x10: {  	[smem:$0x3FB6] =	sst s8  }
0x11: {  	[smem:$0x3FB7] =	sst s9;
	s0 =	simm.s32 @!p0 $0x0  }
0x12: {  	s1 =	sld [smem:$0x3F9D];
	s0 =	simm.s32 @p0 $0x1  }
0x13: {  	[smem:$0x3FB8] =	sst s0;
	s0 =	simm.s32 @!p1 $0x0  }
0x14: {  	s2 =	sld [smem:$0x3F9C];
	s0 =	simm.s32 @p1 $0x1  }
0x15: {  	[smem:$0x3FB9] =	sst s0;
	s0 =	simm.s32 @!p2 $0x0  }
0x16: {  	s3 =	sld [smem:$0x3FDB];
	s0 =	simm.s32 @p2 $0x1  }
0x17: {  	s4 =	simm.s32 $0x1BF5;
	[smem:$0x3FBB] =	sst s0  }
0x18: {  	s0 =	sld [smem:$0x3F9E];
	_ =	swait.ge [sflag:s4], $0x0  }
0x19: {  	s7 =	sld [smem:$0x3F9F]  }
0x1a: {  	s8 =	sadd.s32 $0xFFFFE003, lr  }
0x1b: {  	s9 =	sadd.s32 $0xFFFFFEF7, lr;
	s5 =	simm.s32 $0xFFFFFFFF;
	p2 =	slt.u32 s8, $0xFFFFF086  }
0x1c: {  	p1 =	slt.u32 s9, $0xF7A;
	s5 =	simm.s32 @!p2 $0x0  }
0x1d: {  	s5 =	simm.s32 @p1 $0x1;
	p0 =	seq.s32 s7, s2  }
0x1e: {  	s7 =	smul.u32 @!p0 $0xF7A, s2;
	p2 =	seq.s32 @!p0 s5, $0x0  }
0x1f: {  	s9 =	smul.u32 $0xF7A, s1;
	s8 =	simm.s32 @!p0 $0x1BF5;
	p2 =	por !p2, p0  }
0x20: {  	[sflag:s8] =	ssyncset.s32 @!p0 $0xFFFFF086;
	s6 =	sadd.s32 @!p0 s3, s7;
	s7 =	simm.s32 @!p0 $0x108  }
0x21: {  	s3 =	sadd.s32 s3, s9;
	s6 =	sadd.s32 @!p0 $0x88, s6;
	s7 =	simm.s32 @p2 $0x1082  }
0x22: {  	[simem:s7], [sflag:s8] =	dma.local @!p0 [hbm:s6], $0xF7A  }
0x23: {  	s9 =	sor.u32 $0xD0000000, s2;
	s6 =	simm.s32 $0x108;
	_ =	swait.ge @!p0 [sflag:s8], $0x0  }
0x24: {  	s3 =	sadd.s32 $0x88, s3;
	s6 =	simm.s32 @!p1 $0x1082;
	[sflag:s4] =	ssyncset.s32 $0xFFFFF086  }
0x25: {  	[simem:s6], [sflag:s4] =	dma.local [hbm:s3], $0xF7A  }
0x26: {  	[smem:$0x3F9F] =	sst s1;
	(tag) =	ssettag s2;
	_ =	strace s9  }
0x27: {  	s1 =	sld [smem:$0x3FAF]  }
0x28: {  	s2 =	sld [smem:$0x3FB0]  }
0x29: {  	s4 =	sld [smem:$0x3FB2]  }
0x2a: {  	p0 =	seq.s32 s5, $0x0;
	s5 =	sld [smem:$0x3FB3]  }
0x2b: {  	s6 =	sld [smem:$0x3FB4]  }
0x2c: {  	s7 =	sld [smem:$0x3FB5]  }
0x2d: {  	s3 =	simm.s32 $0x108;
	s8 =	sld [smem:$0x3FB6]  }
0x2e: {  	s3 =	simm.s32 @!p0 $0x1082;
	s9 =	sld [smem:$0x3FB7]  }
0x2f: {  	lr =	sadd.s32 s0, s3;
	s0 =	sld [smem:$0x3FAE]  }
0x30: {  	s3 =	sld [smem:$0x3FB1]  }
0x31: {  	[smem:$0x3FBA] =	sst s10  }
0x32: {  	s10 =	sld [smem:$0x3FB8];
	_ =	sdelay $0x3  }
0x33: {  	p0 =	seq.s32 s10, $0x1;
	s10 =	sld [smem:$0x3FBA];
	_ =	sdelay $0x3  }
0x34: {  	[smem:$0x3FBA] =	sst s10  }
0x35: {  	s10 =	sld [smem:$0x3FB9];
	_ =	sdelay $0x3  }
0x36: {  	p1 =	seq.s32 s10, $0x1;
	s10 =	sld [smem:$0x3FBA];
	_ =	sdelay $0x3  }
0x37: {  	[smem:$0x3FBA] =	sst s10  }
0x38: {  	s10 =	sld [smem:$0x3FBB]  }
0x39: {  	_ = 	snop;
	(pc) =	sbr.ind lr, $3  }
0x3a: {  	_ = 	snop  }
0x3b: {  	_ = 	snop  }
0x3c: {  	p2 =	seq.s32 s10, $0x1;
	s10 =	sld [smem:$0x3FBA]  }
0x3d: {  	_ =	shalt  }
0x3e: {  	_ =	shalt  }
0x3f: {  	_ =	shalt  }
0x40: {  	_ =	shalt  }
0x41: {  	_ =	shalt  }
0x42: {  	_ =	shalt  }
0x43: {  	_ =	shalt  }
0x44: {  	_ =	shalt  }
0x45: {  	_ =	shalt  }
0x46: {  	_ =	shalt  }
0x47: {  	_ =	shalt  }
0x48: {  	_ =	shalt  }
0x49: {  	_ =	shalt  }
0x4a: {  	_ =	shalt  }
0x4b: {  	_ =	shalt  }
0x4c: {  	_ =	shalt  }
0x4d: {  	_ =	shalt  }
0x4e: {  	_ =	shalt  }
0x4f: {  	_ =	shalt  }
0x50: {  	_ =	shalt  }
0x51: {  	_ =	shalt  }
0x52: {  	_ =	shalt  }
0x53: {  	_ =	shalt  }
0x54: {  	_ =	shalt  }
0x55: {  	_ =	shalt  }
0x56: {  	_ =	shalt  }
0x57: {  	_ =	shalt  }
0x58: {  	_ =	shalt  }
0x59: {  	_ =	shalt  }
0x5a: {  	_ =	shalt  }
0x5b: {  	_ =	shalt  }
0x5c: {  	_ =	shalt  }
0x5d: {  	_ =	shalt  }
0x5e: {  	_ =	shalt  }
0x5f: {  	_ =	shalt  }
0x60: {  	_ =	shalt  }
0x61: {  	_ =	shalt  }
0x62: {  	_ =	shalt  }
0x63: {  	_ =	shalt  }
0x64: {  	_ =	shalt  }
0x65: {  	_ =	shalt  }
0x66: {  	_ =	shalt  }
0x67: {  	_ =	shalt  }
0x68: {  	_ =	shalt  }
0x69: {  	_ =	shalt  }
0x6a: {  	_ =	shalt  }
0x6b: {  	_ =	shalt  }
0x6c: {  	_ =	shalt  }
0x6d: {  	_ =	shalt  }
0x6e: {  	_ =	shalt  }
0x6f: {  	_ =	shalt  }
0x70: {  	_ =	shalt  }
0x71: {  	_ =	shalt  }
0x72: {  	_ =	shalt  }
0x73: {  	_ =	shalt  }
0x74: {  	_ =	shalt  }
0x75: {  	_ =	shalt  }
0x76: {  	_ =	shalt  }
0x77: {  	_ =	shalt  }
0x78: {  	_ =	shalt  }
0x79: {  	_ =	shalt  }
0x7a: {  	_ =	shalt  }
0x7b: {  	_ =	shalt  }
0x7c: {  	_ =	shalt  }
0x7d: {  	_ =	shalt  }
0x7e: {  	_ =	shalt  }
0x7f: {  	_ =	shalt  }
0x80: {  	_ =	shalt  }
0x81: {  	_ =	shalt  }
0x82: {  	_ =	shalt  }
0x83: {  	_ =	shalt  }
0x84: {  	_ =	shalt  }
0x85: {  	_ =	shalt  }
0x86: {  	_ =	shalt  }
0x87: {  	_ =	shalt  }
.Lfunc_end0:
.L_simem_size_0:
called_computation_lowered:
.L_overlay_start_0:
0x88: {  	s2 =	sld [smem:$0x3FD9]  }
0x89: {  	s3 =	sld [smem:$0x3FFE];
	_ =	sdelay $0x1  }
0x8a: {  	s1 =	srdreg.scid  }
0x8b: {  	s0 =	sand.u32 $0x1, s1  }
0x8c: {  	s17 =	sshll.u32 s0, $0xA;
	s2 =	sadd.s32 s3, s2  }
0x8d: {  	s2 =	sadd.s32 s2, s17  }
0x8e: {  	[smem:$0x3FC6] =	sst s2  }
0x8f: {  	_ = 	snop  }
0x90: {  	s2 =	sld [smem:$0x3FC8]  }
0x91: {  	s18 =	sld [smem:$0x3FD0];
	(tm) =	ssettm $0x1  }
0x92: {  	s4 =	sld [smem:$0x3FFB];
	_ =	sdelay $0x3  }
0x93: {  	_ =	strace s4  }
0x94: {  	s4 =	sld [smem:$0x3FFC];
	_ =	sdelay $0x3  }
0x95: {  	_ =	strace s4  }
0x96: {  	s4 =	sld [smem:$0x3FFD];
	_ =	sdelay $0x3  }
0x97: {  	_ =	strace s4  }
0x98: {  	_ =	strace $0x8FFFFFFF  }
0x99: {  	s19 =	sld [smem:$0x3FDB];
	_ =	sdelay $0x1  }
0x9a: {  	s5 =	simm.s32 $_scs_section_size  }
0x9b: {  	s6 =	simm.s32 $_size__tile_overlayer_lowered;
	s7 =	simm.s32 $_tile_overlayer_lowered  }
0x9c: {  	s22 =	simm.s32 $0x1BFF;
	s21 =	sshll.u32 s7, $0x1;
	s4 =	sadd.s32 s5, s19  }
0x9d: {  	s8 =	simm.s32 $0x0;
	s20 =	sshll.u32 s6, $0x1;
	s6 =	sadd.s32 s21, s4  }
0x9e: {  	[timem:s8], [sflag:s22] =	dma.local [hbm:s6], s20  }
0x9f: {  	_ =	swait.ge [sflag:s22], s20  }
0xa0: {  	s5 =	ssub.s32 $0x0, s20;
	[sflag:s22] =	ssyncset.done $0x0  }
0xa1: {  	[sflag:s22] =	ssyncadd.s32 s5;
	_ =	sdelay $0x1  }
0xa2: {  	s23 =	simm.s32 $0x1B8B  }
0xa3: {  	_ =	swait.ge [sflag:s23], $0x1  }
0xa4: {  	[sflag:s23] =	ssyncset.done $0x0  }
0xa5: {  	s25 =	simm.s32 $0x1B8E;
	s24 =	sld [smem:$0x3FFE];
	[sflag:s23] =	ssyncadd.s32 $0xFFFFFFFF  }
0xa6: {  	s26 =	simm.s32 $execute0_lowered;
	[smem:$0x3FD2] =	sst s25  }
0xa7: {  	s6 =	sshll.u32 s26, $0x1;
	_ =	strace $0x80000046;
	[dreg:$0x1] =	wrdreg $0xFFFFFFFF  }
0xa8: {  	s28 =	simm.s32 $_size_execute0_lowered;
	s4 =	sadd.s32 s4, s6;
	[dreg:$0x0] =	wrdreg $0x0  }
0xa9: {  	s6 =	sshll.u32 s28, $0x1;
	[dreg:$0x2] =	wrdreg s4  }
0xaa: {  	[dreg:$0x3] =	wrdreg s6  }
0xab: {  	[dreg:$0x4] =	wrdreg $0xC0  }
0xac: {  	_ =	task [dreg:s8], $0x5FFFF  }
0xad: {  	[dreg:$0x1] =	wrdreg $0xFFFFFFFF  }
0xae: {  	[dreg:$0x0] =	wrdreg $0x60  }
0xaf: {  	[dreg:$0x2] =	wrdreg s2  }
0xb0: {  	[dreg:$0x3] =	wrdreg s24  }
0xb1: {  	[dreg:$0x4] =	wrdreg s18  }
0xb2: {  	[dreg:$0x5] =	wrdreg $0x9  }
0xb3: {  	_ =	task.clear_ibuf [dreg:s8], $0x6FFFF;
	_ =	strace $0x90000046  }
0xb4: {  	s29 =	simm.s32 $0x9;
	_ =	strace $0x80000048  }
0xb5: {  	_ =	swait.ge [sflag:s29], $0x1  }
0xb6: {  	[sflag:s29] =	ssyncadd.s32 $0xFFFFFFFF  }
0xb7: {  	_ =	strace $0x90000048  }
0xb8: {  	_ =	sfence  }
0xb9: {  	s30 =	sld [smem:$0x0];
	_ =	sdelay $0x2  }
0xba: {  	s31 =	sshll.u32 s1, $0xD;
	s1 =	sshrl.u32 s1, $0x2  }
0xbb: {  	s3 =	sand.u32 $0x4000, s31;
	s1 =	sadd.s32 s1, s30  }
0xbc: {  	s0 =	sor.u32 s3, s0;
	s1 =	sshll.u32 s1, $0x11  }
0xbd: {  	s0 =	sor.u32 s1, s0  }
0xbe: {  	s0 =	sadd.s32 $0x8F2B, s0  }
0xbf: {  	[sflag:s0] =	ssyncadd.remote.s32 $0x1  }
0xc0: {  	_ =	sfence.sel $0xFFFF  }
0xc1: {  	[dreg:$0x0] =	wrdreg $0xFFFFFFFF;
	(pc) =	sbr.abs _section_cstart, $3  }
0xc2: {  	[dreg:$0x1] =	wrdreg $0xFFFFFFFF  }
0xc3: {  	_ =	task.clear_ibuf [dreg:s8], $0x2FFFF;
	_ =	strace $0x9FFFFFFF  }
0xc4: {  	(tm) =	ssettm $0x7FFFFFFF  }
0xc5: {  	_ =	shalt  }
tec
execute0_lowered:
.L_overlay_start_1:
0x0: {  	(tag) =	ssettag $0x1  }
0x1: {  	s1 =	rddreg [dreg:$0x0]  }
0x2: {  	s4 =	rddreg [dreg:$0x1]  }
0x3: {  	s6 =	rddreg [dreg:$0x2]  }
0x4: {  	s3 =	srdreg.scid;
	s2 =	stileid.u32;
	s11 =	simm.s32 $0x100  }
0x5: {  	s12 =	simm.s32 $0xE400;
	s13 =	simm.s32 $0x180;
	s14 =	simm.s32 $0x12400  }
0x6: {  	s15 =	simm.s32 $0x200;
	s16 =	simm.s32 $0x16400;
	s17 =	simm.s32 $0x1A400  }
0x7: {  	s18 =	simm.s32 $0x9;
	s19 =	simm.s32 $0xA;
	s20 =	simm.s32 $0xB  }
0x8: {  	s21 =	simm.s32 $0xC;
	s22 =	simm.s32 $0x7;
	s23 =	simm.s32 $0x8  }
0x9: {  	s5 =	sand.u32 $0x1, s3;
	s7 =	sshll.u32 s2, $0x1;
	s8 =	smul.u32 $0x640000, s2  }
0xa: {  	s24 =	simm.s32 $0x0;
	s7 =	sor.u32 s5, s7;
	s9 =	smul.u32 $0x320000, s5  }
0xb: {  	s3 =	simm.s32 $0x0;
	s5 =	ssub.s32 $0x2, s5;
	s7 =	smul.u32 $0xC80, s7  }
.Ltmp0:
0xc: {  	[smem:$0x7FF] =	sst s3;
	s10 =	sshrl.u32 s5, $0x1;
	(pc) =	sbr.rel .LBB2_1-.Ltmp0, $4  }
0xd: {  	_ =	strace $0x80000047;
	s8 =	sadd.s32 s9, s8;
	s5 =	ssub.s32 s5, s10  }
0xe: {  	s9 =	simm.s32 $0x6400;
	s10 =	simm.s32 $0xA400;
	s4 =	sadd.s32 s7, s4  }
0xf: {  	s31 =	sshrl.u32 s8, $0x3;
	s5 =	smax.u32 s5, $0x1;
	s7 =	simm.s32 $0xD  }
0x10: {  	s8 =	simm.s32 $0x80;
	s4 =	sadd.s32 $0x400, s4;
	s6 =	sadd.s32 s31, s6  }
.LBB2_6:
0x11: {  	_ =	swait.ge [sflag:s18], $0x4000  }
0x12: {  	[sflag:s18] =	ssyncset.done $0x0  }
0x13: {  	[sflag:s18] =	ssyncadd.s32 $0xFFFFC000  }
0x14: {  	_ =	swait.ge [sflag:s19], $0x4000  }
0x15: {  	[sflag:s19] =	ssyncset.done $0x0  }
0x16: {  	[sflag:s19] =	ssyncadd.s32 $0xFFFFC000  }
0x17: {  	_ =	swait.ge [sflag:s20], $0x4000  }
0x18: {  	[sflag:s20] =	ssyncset.done $0x0  }
0x19: {  	[sflag:s20] =	ssyncadd.s32 $0xFFFFC000  }
0x1a: {  	_ =	swait.ge [sflag:s21], $0x4000  }
0x1b: {  	[sflag:s21] =	ssyncset.done $0x0  }
0x1c: {  	s24 =	sadd.s32 $0x1, s24;
	[sflag:s21] =	ssyncadd.s32 $0xFFFFC000  }
0x1d: {  	p0 =	sne.s32 s24, s5;
	_ =	swait.ge [sflag:s22], $0x4000  }
.Ltmp1:
0x1e: {  	[sflag:s22] =	ssyncset.done $0x0;
	(pc) =	sbr.rel @!p0 .LBB2_7-.Ltmp1, $4  }
0x1f: {  	[sflag:s22] =	ssyncadd.s32 $0xFFFFC000  }
0x20: {  	_ =	swait.ge [sflag:s23], $0x4000  }
0x21: {  	[sflag:s23] =	ssyncset.done $0x0  }
0x22: {  	[sflag:s23] =	ssyncadd.s32 $0xFFFFC000  }
.LBB2_1:
0x23: {  	[tilespmem:s3], [sflag:$0xD] =	stream.linear.gather [hbm4b:s4+s3], $0x6400, $0x38;
	[tilespmem:$0x1E400] =	vst v63  }
0x24: {  	_ =	swait.ge [sflag:s7], $0x6400  }
0x25: {  	[sflag:s7] =	ssyncset.done $0x0  }
0x26: {  	[sflag:s7] =	ssyncadd.s32 $0xFFFF9C00  }
0x27: {  	[tilespmem:s9], [sflag:$0x1] =	stream.indirect.gather [hbm4b:s1+s8], $0x80, s3, s8, $0xb8;
	[tilespmem:$0x1E400] =	vst v63  }
0x28: {  	_ = 	snop  }
0x29: {  	[tilespmem:s10], [sflag:$0x2] =	stream.indirect.gather [hbm4b:s1+s8], $0x80, s8, s8, $0xb8;
	[tilespmem:$0x1E400] =	vst v63  }
0x2a: {  	_ = 	snop  }
0x2b: {  	[tilespmem:s12], [sflag:$0x3] =	stream.indirect.gather [hbm4b:s1+s8], $0x80, s11, s8, $0xb8;
	[tilespmem:$0x1E400] =	vst v63  }
0x2c: {  	_ = 	snop  }
0x2d: {  	[tilespmem:s14], [sflag:$0x4] =	stream.indirect.gather [hbm4b:s1+s8], $0x80, s13, s8, $0xb8;
	[tilespmem:$0x1E400] =	vst v63  }
.Ltmp2:
0x2e: {  	_ = 	snop;
	(pc) =	sbr.rel .LBB2_2-.Ltmp2, $4  }
0x2f: {  	_ = 	snop  }
0x30: {  	[tilespmem:s16], [sflag:$0x5] =	stream.indirect.gather [hbm4b:s1+s8], $0x80, s15, s8, $0xb8;
	[tilespmem:$0x1E400] =	vst v63  }
0x31: {  	s25 =	simm.s32 $0x280;
	s29 =	simm.s32 $0xFFFFFFFF;
	s26 =	smov.u32 s6  }
0x32: {  	[tilespmem:s17], [sflag:$0x6] =	stream.indirect.gather [hbm4b:s1+s8], $0x80, s25, s8, $0xb8;
	[tilespmem:$0x1E400] =	vst v63  }
.LBB2_4:
0x33: {  	p0 =	seq.s32 s30, $0x3  }
0x34: {  	s0 =	simm.s32 @p0 $0x4  }
0x35: {  	_ =	swait.ge @p0 [sflag:s0], $0x4000  }
0x36: {  	p1 =	sgt.u32 @p0 s29, $0xC1;
	s31 =	simm.s32 @p0 $0x12400;
	[sflag:s0] =	ssyncset.done @p0 $0x0  }
0x37: {  	p1 =	por p1, !p0;
	[sflag:s0] =	ssyncadd.s32 @p0 $0xFFFFC000;
	s0 =	simm.s32 @p0 $0x0  }
0x38: {  	[hbm4b:s26+s0] =	stream.linear.scatter @p0 [tilespmem:s31], [sflag:$0xA], $0x4000, $0x38;
	[tilespmem:$0x1E400] =	vst v63  }
0x39: {  	s0 =	simm.s32 @!p1 $0x9  }
0x3a: {  	_ =	swait.ge @!p1 [sflag:s0], $0x4000  }
0x3b: {  	[sflag:s0] =	ssyncset.done @!p1 $0x0  }
0x3c: {  	s31 =	simm.s32 @!p1 $0xE400;
	[sflag:s0] =	ssyncadd.s32 @!p1 $0xFFFFC000;
	s0 =	simm.s32 @!p1 $0x80  }
0x3d: {  	[tilespmem:s31], [sflag:$0x3] =	stream.indirect.gather @!p1 [hbm4b:s1+s0], $0x80, s25, s0, $0xb8;
	[tilespmem:$0x1E400] =	vst v63  }
0x3e: {  	p1 =	seq.s32 @!p0 s30, $0x4  }
0x3f: {  	p2 =	por !p1, p0  }
0x40: {  	s0 =	simm.s32 @!p2 $0x5  }
0x41: {  	_ =	swait.ge @!p2 [sflag:s0], $0x4000  }
0x42: {  	p3 =	sgt.u32 @!p2 s29, $0xC1;
	[sflag:s0] =	ssyncset.done @!p2 $0x0  }
0x43: {  	s30 =	simm.s32 @!p2 $0x16400;
	[sflag:s0] =	ssyncadd.s32 @!p2 $0xFFFFC000;
	s0 =	simm.s32 @!p2 $0x0  }
0x44: {  	[hbm4b:s26+s0] =	stream.linear.scatter @!p2 [tilespmem:s30], [sflag:$0xB], $0x4000, $0x38;
	[tilespmem:$0x1E400] =	vst v63  }
0x45: {  	p2 =	por @!p0 p3, !p1  }
0x46: {  	p2 =	por p2, p0  }
0x47: {  	s0 =	simm.s32 @!p2 $0xA  }
0x48: {  	_ =	swait.ge @!p2 [sflag:s0], $0x4000  }
0x49: {  	[sflag:s0] =	ssyncset.done @!p2 $0x0  }
0x4a: {  	s30 =	simm.s32 @!p2 $0x12400;
	[sflag:s0] =	ssyncadd.s32 @!p2 $0xFFFFC000;
	s0 =	simm.s32 @!p2 $0x80  }
0x4b: {  	[tilespmem:s30], [sflag:$0x4] =	stream.indirect.gather @!p2 [hbm4b:s1+s0], $0x80, s25, s0, $0xb8;
	[tilespmem:$0x1E400] =	vst v63  }
0x4c: {  	p2 =	por p1, p0  }
0x4d: {  	s0 =	simm.s32 @!p2 $0x6  }
0x4e: {  	p3 =	sgt.u32 @!p2 s29, $0xC1;
	_ =	swait.ge @!p2 [sflag:s0], $0x4000  }
0x4f: {  	s29 =	simm.s32 @!p2 $0x1A400;
	p1 =	por @!p0 p3, p1;
	[sflag:s0] =	ssyncset.done @!p2 $0x0  }
0x50: {  	p0 =	por p1, p0;
	[sflag:s0] =	ssyncadd.s32 @!p2 $0xFFFFC000;
	s0 =	simm.s32 @!p2 $0x0  }
0x51: {  	[hbm4b:s26+s0] =	stream.linear.scatter @!p2 [tilespmem:s29], [sflag:$0xC], $0x4000, $0x38;
	[tilespmem:$0x1E400] =	vst v63  }
0x52: {  	s0 =	simm.s32 @!p0 $0xB  }
0x53: {  	_ =	swait.ge @!p0 [sflag:s0], $0x4000  }
0x54: {  	[sflag:s0] =	ssyncset.done @!p0 $0x0  }
0x55: {  	s29 =	simm.s32 @!p0 $0x16400;
	[sflag:s0] =	ssyncadd.s32 @!p0 $0xFFFFC000;
	s0 =	simm.s32 @!p0 $0x80  }
0x56: {  	[tilespmem:s29], [sflag:$0x5] =	stream.indirect.gather @!p0 [hbm4b:s1+s0], $0x80, s25, s0, $0xb8;
	[tilespmem:$0x1E400] =	vst v63  }
.LBB2_5:
0x57: {  	p0 =	sne.s32 s28, $0xC7  }
.Ltmp3:
0x58: {  	_ = 	snop;
	(pc) =	sbr.rel @!p0 .LBB2_6-.Ltmp3, $2  }
0x59: {  	_ =	sdelay $0x2  }
0x5a: {  	s26 =	sadd.s32 $0x800, s26;
	s25 =	sadd.s32 $0x80, s25;
	s29 =	smov.u32 s28  }
.LBB2_2:
0x5b: {  	s28 =	sadd.s32 $0x1, s29  }
0x5c: {  	s30 =	smul.u32 $0xAB, s28;
	_ =	sdelay $0x1  }
0x5d: {  	s30 =	sshrl.u32 s30, $0xA  }
0x5e: {  	s30 =	sand.u32 $0x3F, s30  }
0x5f: {  	s30 =	smul.u32 $0x6, s30;
	_ =	sdelay $0x1  }
0x60: {  	s30 =	ssub.s32 s28, s30  }
0x61: {  	s30 =	sand.u32 $0xFF, s30  }
0x62: {  	p0 =	sgt.s32 s30, $0x2  }
.Ltmp4:
0x63: {  	_ = 	snop;
	(pc) =	sbr.rel @p0 .LBB2_4-.Ltmp4, $1  }
0x64: {  	_ =	sdelay $0x3  }
0x65: {  	p0 =	seq.s32 s30, $0x0  }
0x66: {  	s31 =	simm.s32 @p0 $0x1  }
0x67: {  	_ =	swait.ge @p0 [sflag:s31], $0x4000  }
0x68: {  	p1 =	sgt.u32 @p0 s29, $0xC1;
	s0 =	simm.s32 @p0 $0x6400;
	[sflag:s31] =	ssyncset.done @p0 $0x0  }
0x69: {  	p1 =	por p1, !p0;
	[sflag:s31] =	ssyncadd.s32 @p0 $0xFFFFC000;
	s31 =	simm.s32 @p0 $0x0  }
0x6a: {  	[hbm4b:s26+s31] =	stream.linear.scatter @p0 [tilespmem:s0], [sflag:$0x7], $0x4000, $0x38;
	[tilespmem:$0x1E400] =	vst v63  }
0x6b: {  	s0 =	simm.s32 @!p1 $0xC  }
0x6c: {  	_ =	swait.ge @!p1 [sflag:s0], $0x4000  }
0x6d: {  	[sflag:s0] =	ssyncset.done @!p1 $0x0  }
0x6e: {  	s31 =	simm.s32 @!p1 $0x1A400;
	[sflag:s0] =	ssyncadd.s32 @!p1 $0xFFFFC000;
	s0 =	simm.s32 @!p1 $0x80  }
0x6f: {  	[tilespmem:s31], [sflag:$0x6] =	stream.indirect.gather @!p1 [hbm4b:s1+s0], $0x80, s25, s0, $0xb8;
	[tilespmem:$0x1E400] =	vst v63  }
0x70: {  	p1 =	seq.s32 @!p0 s30, $0x1  }
0x71: {  	p2 =	por !p1, p0  }
0x72: {  	s0 =	simm.s32 @!p2 $0x2  }
0x73: {  	_ =	swait.ge @!p2 [sflag:s0], $0x4000  }
0x74: {  	p3 =	sgt.u32 @!p2 s29, $0xC1;
	[sflag:s0] =	ssyncset.done @!p2 $0x0  }
0x75: {  	s30 =	simm.s32 @!p2 $0xA400;
	[sflag:s0] =	ssyncadd.s32 @!p2 $0xFFFFC000;
	s0 =	simm.s32 @!p2 $0x0  }
0x76: {  	[hbm4b:s26+s0] =	stream.linear.scatter @!p2 [tilespmem:s30], [sflag:$0x8], $0x4000, $0x38;
	[tilespmem:$0x1E400] =	vst v63  }
0x77: {  	p2 =	por @!p0 p3, !p1  }
0x78: {  	p2 =	por p2, p0  }
0x79: {  	s0 =	simm.s32 @!p2 $0x7  }
0x7a: {  	_ =	swait.ge @!p2 [sflag:s0], $0x4000  }
0x7b: {  	[sflag:s0] =	ssyncset.done @!p2 $0x0  }
0x7c: {  	s30 =	simm.s32 @!p2 $0x6400;
	[sflag:s0] =	ssyncadd.s32 @!p2 $0xFFFFC000;
	s0 =	simm.s32 @!p2 $0x80  }
0x7d: {  	[tilespmem:s30], [sflag:$0x1] =	stream.indirect.gather @!p2 [hbm4b:s1+s0], $0x80, s25, s0, $0xb8;
	[tilespmem:$0x1E400] =	vst v63  }
0x7e: {  	p2 =	por p1, p0  }
0x7f: {  	s0 =	simm.s32 @!p2 $0x3  }
0x80: {  	p3 =	sgt.u32 @!p2 s29, $0xC1;
	_ =	swait.ge @!p2 [sflag:s0], $0x4000  }
0x81: {  	s29 =	simm.s32 @!p2 $0xE400;
	p1 =	por @!p0 p3, p1;
	[sflag:s0] =	ssyncset.done @!p2 $0x0  }
0x82: {  	p0 =	por p1, p0;
	[sflag:s0] =	ssyncadd.s32 @!p2 $0xFFFFC000;
	s0 =	simm.s32 @!p2 $0x0  }
0x83: {  	[hbm4b:s26+s0] =	stream.linear.scatter @!p2 [tilespmem:s29], [sflag:$0x9], $0x4000, $0x38;
	[tilespmem:$0x1E400] =	vst v63  }
.Ltmp5:
0x84: {  	s0 =	simm.s32 @!p0 $0x8;
	(pc) =	sbr.rel .LBB2_5-.Ltmp5, $4  }
0x85: {  	_ =	swait.ge @!p0 [sflag:s0], $0x4000  }
0x86: {  	[sflag:s0] =	ssyncset.done @!p0 $0x0  }
0x87: {  	s29 =	simm.s32 @!p0 $0xA400;
	[sflag:s0] =	ssyncadd.s32 @!p0 $0xFFFFC000;
	s0 =	simm.s32 @!p0 $0x80  }
0x88: {  	[tilespmem:s29], [sflag:$0x2] =	stream.indirect.gather @!p0 [hbm4b:s1+s0], $0x80, s25, s0, $0xb8;
	[tilespmem:$0x1E400] =	vst v63  }
.LBB2_7:
0x89: {  	_ =	sfence.sel $0x180000  }
0x8a: {  	[bflag:$0x0] =	sbarrier.arrive $0xFFFF  }
0x8b: {  	_ =	strace $0x90000047  }
0x8c: {  	[bflag:$0x2] =	sbarrier.arrive $0xFFFF  }
0x8d: {  	p0 =	sne.s32 s2, $0x0;
	s0 =	rddreg [dreg:$0x3]  }
0x8e: {  	s0 =	sadd.s32 @!p0 $0x100000, s0  }
0x8f: {  	[sflag:s0] =	ssyncadd.tile.s32 @!p0 $0x1;
	_ =	shalt  }
.Lfunc_end2:
_tile_overlayer_lowered:
.L_overlay_start_2:
0x90: {  	(tag) =	ssettag $0x2  }
0x91: {  	s0 =	rddreg [dreg:$0x0];
	s2 =	stileid.u32  }
0x92: {  	s1 =	rddreg [dreg:$0x1];
	p0 =	sne.s32 s2, $0x0  }
0x93: {  	s3 =	rddreg [dreg:$0x2];
	[bflag:$0x3] =	sbarrier.arrive $0xFFFF;
	s2 =	simm.s32 @!p0 $0x1C0D  }
0x94: {  	[timem:s3], [sflag:s2] =	dma.local @!p0 [hbm:s0], s1  }
0x95: {  	s0 =	simm.s32 @!p0 $0xD  }
0x96: {  	_ =	swait.ge @!p0 [sflag:s0], s1  }
0x97: {  	s1 =	ssub.s32 @!p0 $0x0, s1;
	[sflag:s0] =	ssyncset.done @!p0 $0x0  }
0x98: {  	[sflag:s0] =	ssyncadd.s32 @!p0 s1  }
0x99: {  	[bflag:$0x3] =	sbarrier.arrive $0xFFFF  }
0x9a: {  	_ =	shalt  }

</sc_bundles>
